<compile_context>
chip_gen: v7x
topology: tpu7x:2x2x1
jax: 0.10.2.dev20260603
libtpu: 0.0.44.dev20260713+nightly
codegen_flags: <defaults>
</compile_context>

<pallas_src>
import jax
import jax.numpy as jnp
from jax import lax
from jax.experimental import pallas as pl

DIM = 1024
QD = 128
NH = 8
K = 8
SIDE = 1024
SUB = QD // 2
BSZ = 2
SEQ = 4096
TOKENS = BSZ * SEQ
GROUP = TOKENS // NH
TILE = 256
TPG = GROUP // TILE
ROWS = TILE * NH


def _topk8_ax0(s, n):
    iota = lax.broadcasted_iota(jnp.int32, s.shape, 0)
    neg_inf = jnp.float32(-jnp.inf)
    vals, idxs = [], []
    cur = s
    for k in range(K):
        m = jnp.max(cur, axis=0, keepdims=True)
        am = jnp.argmax(cur, axis=0, keepdims=True).astype(jnp.int32)
        vals.append(m)
        idxs.append(am)
        if k + 1 < K:
            cur = jnp.where(iota == am, neg_inf, cur)
    return jnp.concatenate(vals, axis=0), jnp.concatenate(idxs, axis=0)


def _router_kernel(xt_ref, wt_ref, b_ref, k1_ref, k2_ref, sv_ref, si_ref):
    q = jnp.dot(wt_ref[...], xt_ref[...], preferred_element_type=jnp.float32)
    q = q + b_ref[...]
    q1 = jnp.concatenate(
        [q[h * QD:h * QD + SUB, :] for h in range(NH)], axis=1)
    q2 = jnp.concatenate(
        [q[h * QD + SUB:(h + 1) * QD, :] for h in range(NH)], axis=1)
    s1 = jnp.dot(k1_ref[0], q1, preferred_element_type=jnp.float32)
    s2 = jnp.dot(k2_ref[0], q2, preferred_element_type=jnp.float32)
    v1, i1 = _topk8_ax0(s1, SIDE)
    v2, i2 = _topk8_ax0(s2, SIDE)
    c = jnp.concatenate([v1[j:j + 1, :] + v2 for j in range(K)], axis=0)
    cv, ci = _topk8_ax0(c, K * K)
    sub1 = ci // K
    sub2 = ci - sub1 * K
    a1 = jnp.zeros_like(ci)
    a2 = jnp.zeros_like(ci)
    for j in range(K):
        a1 = jnp.where(sub1 == j, i1[j:j + 1, :], a1)
        a2 = jnp.where(sub2 == j, i2[j:j + 1, :], a2)
    eid = a1 * SIDE + a2
    for h in range(NH):
        sv_ref[0, h * K:(h + 1) * K, :] = cv[:, h * TILE:(h + 1) * TILE]
        si_ref[0, h * K:(h + 1) * K, :] = eid[:, h * TILE:(h + 1) * TILE]


def kernel(x, W, b, keys):
    xt = x.reshape(TOKENS, DIM).T
    wt = W.T
    b2 = b.reshape(NH * QD, 1)
    k1 = keys[:, 0]
    k2 = keys[:, 1]
    grid = (TOKENS // TILE,)
    sv, si = pl.pallas_call(
        _router_kernel,
        grid=grid,
        in_specs=[
            pl.BlockSpec((DIM, TILE), lambda i: (0, i)),
            pl.BlockSpec((NH * QD, DIM), lambda i: (0, 0)),
            pl.BlockSpec((NH * QD, 1), lambda i: (0, 0)),
            pl.BlockSpec((1, SIDE, SUB), lambda i: (i // TPG, 0, 0)),
            pl.BlockSpec((1, SIDE, SUB), lambda i: (i // TPG, 0, 0)),
        ],
        out_specs=[
            pl.BlockSpec((1, NH * K, TILE), lambda i: (i // TPG, 0, i % TPG)),
            pl.BlockSpec((1, NH * K, TILE), lambda i: (i // TPG, 0, i % TPG)),
        ],
        out_shape=[
            jax.ShapeDtypeStruct((NH, NH * K, GROUP), jnp.float32),
            jax.ShapeDtypeStruct((NH, NH * K, GROUP), jnp.int32),
        ],
    )(xt, wt, b2, k1, k2)
    sv = sv.transpose(0, 2, 1).reshape(NH, TOKENS, K).transpose(1, 0, 2)
    si = si.transpose(0, 2, 1).reshape(NH, TOKENS, K).transpose(1, 0, 2)
    return (si.reshape(BSZ, SEQ, NH, K), sv.reshape(BSZ, SEQ, NH, K))

# --- scband reference (transcript-rebuilt; emitter-appended) ---
"""Pipeline reference for scband-product-key-router-90984587198540 (READ-ONLY COPY).

The authoritative reference and input builder live on the scoring server;
editing this copy changes nothing except your own understanding.
"""

import jax, jax.numpy as jnp
import numpy as np

DIM = 1024
QD = 128
NH = 8
NE = 1048576
K = 8
SIDE = 1024  # int(sqrt(NE))
SUB = QD // 2
BSZ = 2
SEQ = 4096


def setup_inputs(seed: int = 0) -> dict:
    key = jax.random.key(seed)
    k1, k2, k3 = jax.random.split(key, 3)
    x = jax.random.normal(k1, (BSZ, SEQ, DIM), dtype=jnp.float32)
    # query_proj: nn.Linear(dim, n_heads * query_dim)
    W = jax.random.normal(k2, (DIM, NH * QD), dtype=jnp.float32) * (1.0 / np.sqrt(DIM))
    b = jnp.zeros((NH * QD,), dtype=jnp.float32)
    # keys: [n_heads, 2, side, sub_dim] * (1/sqrt(sub_dim))
    keys = jax.random.normal(k3, (NH, 2, SIDE, SUB), dtype=jnp.float32) * (1.0 / np.sqrt(SUB))
    return {"x": x, "W": W, "b": b, "keys": keys}


def reference(x, W, b, keys):
    bsz, seq_len, _ = x.shape
    # dropout is a no-op at p=0.0 / eval
    queries = x @ W + b
    queries = queries.reshape(bsz, seq_len, NH, QD)
    q1 = queries[..., :SUB]
    q2 = queries[..., SUB:]
    q1_flat = q1.reshape(-1, SUB)
    q2_flat = q2.reshape(-1, SUB)
    chunk_size = bsz * seq_len
    all_scores = []
    all_indices = []
    for h in range(NH):
        start = h * chunk_size
        end = (h + 1) * chunk_size
        q1_ = q1_flat[start:end]
        q2_ = q2_flat[start:end]
        subkeys = keys[h]
        scores1 = q1_ @ subkeys[0].T  # [T, SIDE]
        scores2 = q2_ @ subkeys[1].T  # [T, SIDE]
        topk1, idx1 = jax.lax.top_k(scores1, K)
        topk2, idx2 = jax.lax.top_k(scores2, K)
        combined = topk1[:, :, None] + topk2[:, None, :]
        combined_flat = combined.reshape(-1, K * K)
        final_vals, final_idx = jax.lax.top_k(combined_flat, K)
        subidx1 = final_idx // K
        subidx2 = final_idx % K
        actual_idx1 = jnp.take_along_axis(idx1, subidx1, axis=1)
        actual_idx2 = jnp.take_along_axis(idx2, subidx2, axis=1)
        expert_id = actual_idx1 * SIDE + actual_idx2
        all_scores.append(final_vals)
        all_indices.append(expert_id)
    scores_merged = jnp.stack(all_scores, axis=1).reshape(bsz, seq_len, NH, K)
    idx_merged = jnp.stack(all_indices, axis=1).reshape(bsz, seq_len, NH, K)
    return (idx_merged, scores_merged)

if __name__ == "__main__":
    import jax
    _d = setup_inputs()
    print(jax.jit(kernel)(*tuple(_d.values())))

</pallas_src>

<mosaic_0001>
module attributes {stable_mosaic.version = 14 : i64} {
  func.func @_router_kernel(%arg0: i32, %arg1: memref<1024x256xf32, #tpu.memory_space<vmem>>, %arg2: memref<1024x1024xf32, #tpu.memory_space<vmem>>, %arg3: memref<1024x1xf32, #tpu.memory_space<vmem>>, %arg4: memref<1x1024x64xf32, #tpu.memory_space<vmem>>, %arg5: memref<1x1024x64xf32, #tpu.memory_space<vmem>>, %arg6: memref<1x64x256xf32, #tpu.memory_space<vmem>>, %arg7: memref<1x64x256xi32, #tpu.memory_space<vmem>>) attributes {dimension_semantics = [#tpu.dimension_semantics<arbitrary>], iteration_bounds = array<i64: 32>, scalar_prefetch = 0 : i64, scratch_operands = 0 : i64, tpu.core_type = #tpu.core_type<tc>, window_params = [{transform_indices = @transform_0, window_bounds = array<i64: 1024, 256>}, {pipeline_mode = #tpu.pipeline_mode<synchronous>, transform_indices = @transform_1, window_bounds = array<i64: 1024, 1024>}, {pipeline_mode = #tpu.pipeline_mode<synchronous>, transform_indices = @transform_2, window_bounds = array<i64: 1024, 1>}, {transform_indices = @transform_3, window_bounds = array<i64: 1, 1024, 64>}, {transform_indices = @transform_4, window_bounds = array<i64: 1, 1024, 64>}, {transform_indices = @transform_5, window_bounds = array<i64: 1, 64, 256>}, {transform_indices = @transform_6, window_bounds = array<i64: 1, 64, 256>}]} {
    %get3A = arith.constant 0 : index
    %get3A_0 = arith.constant 0 : index
    %get3A_1 = vector.load %arg2[%get3A, %get3A_0] : memref<1024x1024xf32, #tpu.memory_space<vmem>>, vector<1024x1024xf32>
    %get3A_2 = arith.constant 0 : index
    %get3A_3 = arith.constant 0 : index
    %get3A_4 = vector.load %arg1[%get3A_2, %get3A_3] : memref<1024x256xf32, #tpu.memory_space<vmem>>, vector<1024x256xf32>
    %dot_general3A = arith.constant dense<0.000000e+00> : vector<1024x256xf32>
    %dot_general3A_5 = tpu.matmul %get3A_1, %get3A_4, %dot_general3A {dimension_numbers = #tpu.dot_dimension_numbers<[1], [0], [0], [1], [0, 0, 1, 1], [], []>, transpose_lhs_hint = false} : vector<1024x1024xf32>, vector<1024x256xf32>, vector<1024x256xf32> -> vector<1024x256xf32>
    %get3A_6 = arith.constant 0 : index
    %get3A_7 = arith.constant 0 : index
    %get3A_8 = vector.load %arg3[%get3A_6, %get3A_7] : memref<1024x1xf32, #tpu.memory_space<vmem>>, vector<1024x1xf32>
    %add3A = vector.broadcast %get3A_8 : vector<1024x1xf32> to vector<1024x256xf32>
    %add3A_9 = arith.addf %dot_general3A_5, %add3A : vector<1024x256xf32>
    %slice3A = vector.extract_strided_slice %add3A_9 {offsets = [0, 0], sizes = [64, 256], strides = [1, 1]} : vector<1024x256xf32> to vector<64x256xf32>
    %slice3A_10 = vector.extract_strided_slice %add3A_9 {offsets = [128, 0], sizes = [64, 256], strides = [1, 1]} : vector<1024x256xf32> to vector<64x256xf32>
    %slice3A_11 = vector.extract_strided_slice %add3A_9 {offsets = [256, 0], sizes = [64, 256], strides = [1, 1]} : vector<1024x256xf32> to vector<64x256xf32>
    %slice3A_12 = vector.extract_strided_slice %add3A_9 {offsets = [384, 0], sizes = [64, 256], strides = [1, 1]} : vector<1024x256xf32> to vector<64x256xf32>
    %slice3A_13 = vector.extract_strided_slice %add3A_9 {offsets = [512, 0], sizes = [64, 256], strides = [1, 1]} : vector<1024x256xf32> to vector<64x256xf32>
    %slice3A_14 = vector.extract_strided_slice %add3A_9 {offsets = [640, 0], sizes = [64, 256], strides = [1, 1]} : vector<1024x256xf32> to vector<64x256xf32>
    %slice3A_15 = vector.extract_strided_slice %add3A_9 {offsets = [768, 0], sizes = [64, 256], strides = [1, 1]} : vector<1024x256xf32> to vector<64x256xf32>
    %slice3A_16 = vector.extract_strided_slice %add3A_9 {offsets = [896, 0], sizes = [64, 256], strides = [1, 1]} : vector<1024x256xf32> to vector<64x256xf32>
    %concatenate3A = tpu.concatenate %slice3A, %slice3A_10, %slice3A_11, %slice3A_12, %slice3A_13, %slice3A_14, %slice3A_15, %slice3A_16 in 1 : vector<64x256xf32>, vector<64x256xf32>, vector<64x256xf32>, vector<64x256xf32>, vector<64x256xf32>, vector<64x256xf32>, vector<64x256xf32>, vector<64x256xf32> -> vector<64x2048xf32>
    %slice3A_17 = vector.extract_strided_slice %add3A_9 {offsets = [64, 0], sizes = [64, 256], strides = [1, 1]} : vector<1024x256xf32> to vector<64x256xf32>
    %slice3A_18 = vector.extract_strided_slice %add3A_9 {offsets = [192, 0], sizes = [64, 256], strides = [1, 1]} : vector<1024x256xf32> to vector<64x256xf32>
    %slice3A_19 = vector.extract_strided_slice %add3A_9 {offsets = [320, 0], sizes = [64, 256], strides = [1, 1]} : vector<1024x256xf32> to vector<64x256xf32>
    %slice3A_20 = vector.extract_strided_slice %add3A_9 {offsets = [448, 0], sizes = [64, 256], strides = [1, 1]} : vector<1024x256xf32> to vector<64x256xf32>
    %slice3A_21 = vector.extract_strided_slice %add3A_9 {offsets = [576, 0], sizes = [64, 256], strides = [1, 1]} : vector<1024x256xf32> to vector<64x256xf32>
    %slice3A_22 = vector.extract_strided_slice %add3A_9 {offsets = [704, 0], sizes = [64, 256], strides = [1, 1]} : vector<1024x256xf32> to vector<64x256xf32>
    %slice3A_23 = vector.extract_strided_slice %add3A_9 {offsets = [832, 0], sizes = [64, 256], strides = [1, 1]} : vector<1024x256xf32> to vector<64x256xf32>
    %slice3A_24 = vector.extract_strided_slice %add3A_9 {offsets = [960, 0], sizes = [64, 256], strides = [1, 1]} : vector<1024x256xf32> to vector<64x256xf32>
    %concatenate3A_25 = tpu.concatenate %slice3A_17, %slice3A_18, %slice3A_19, %slice3A_20, %slice3A_21, %slice3A_22, %slice3A_23, %slice3A_24 in 1 : vector<64x256xf32>, vector<64x256xf32>, vector<64x256xf32>, vector<64x256xf32>, vector<64x256xf32>, vector<64x256xf32>, vector<64x256xf32>, vector<64x256xf32> -> vector<64x2048xf32>
    %get3A_26 = arith.constant 0 : index
    %get3A_27 = arith.constant 0 : index
    %get3A_28 = arith.constant 0 : index
    %get3A_29 = vector.load %arg4[%get3A_26, %get3A_27, %get3A_28] : memref<1x1024x64xf32, #tpu.memory_space<vmem>>, vector<1x1024x64xf32>
    %get3A_30 = vector.shape_cast %get3A_29 : vector<1x1024x64xf32> to vector<1024x64xf32>
    %dot_general3A_31 = arith.constant dense<0.000000e+00> : vector<1024x2048xf32>
    %dot_general3A_32 = tpu.matmul %get3A_30, %concatenate3A, %dot_general3A_31 {dimension_numbers = #tpu.dot_dimension_numbers<[1], [0], [0], [1], [0, 0, 1, 1], [], []>, transpose_lhs_hint = false} : vector<1024x64xf32>, vector<64x2048xf32>, vector<1024x2048xf32> -> vector<1024x2048xf32>
    %get3A_33 = arith.constant 0 : index
    %get3A_34 = arith.constant 0 : index
    %get3A_35 = arith.constant 0 : index
    %get3A_36 = vector.load %arg5[%get3A_33, %get3A_34, %get3A_35] : memref<1x1024x64xf32, #tpu.memory_space<vmem>>, vector<1x1024x64xf32>
    %get3A_37 = vector.shape_cast %get3A_36 : vector<1x1024x64xf32> to vector<1024x64xf32>
    %dot_general3A_38 = arith.constant dense<0.000000e+00> : vector<1024x2048xf32>
    %dot_general3A_39 = tpu.matmul %get3A_37, %concatenate3A_25, %dot_general3A_38 {dimension_numbers = #tpu.dot_dimension_numbers<[1], [0], [0], [1], [0, 0, 1, 1], [], []>, transpose_lhs_hint = false} : vector<1024x64xf32>, vector<64x2048xf32>, vector<1024x2048xf32> -> vector<1024x2048xf32>
    %iota3A = tpu.iota {dimensions = array<i32: 0>} : vector<1024x2048xi32>
    %reduce_max3A = arith.constant dense<0xFF800000> : vector<2048xf32>
    %reduce_max3A_40 = vector.multi_reduction <maximumf>, %dot_general3A_32, %reduce_max3A [0] : vector<1024x2048xf32> to vector<2048xf32>
    %broadcast_in_dim3A = vector.shape_cast %reduce_max3A_40 : vector<2048xf32> to vector<1x2048xf32>
    %argmax3A = tpu.reduce_index %dot_general3A_32 {axis = 0 : i32, kind = #tpu.reduction_kind<arg_max>} : vector<1024x2048xf32> -> vector<2048xi32>
    %broadcast_in_dim3A_41 = vector.shape_cast %argmax3A : vector<2048xi32> to vector<1x2048xi32>
    %eq3A = vector.broadcast %broadcast_in_dim3A_41 : vector<1x2048xi32> to vector<1024x2048xi32>
    %eq3A_42 = arith.cmpi eq, %iota3A, %eq3A : vector<1024x2048xi32>
    %jit3A = arith.constant 0xFF800000 : f32
    %broadcast_in_dim3A_43 = vector.broadcast %jit3A : f32 to vector<1024x2048xf32>
    %select_n3A = arith.select %eq3A_42, %broadcast_in_dim3A_43, %dot_general3A_32 : vector<1024x2048xi1>, vector<1024x2048xf32>
    %reduce_max3A_44 = arith.constant dense<0xFF800000> : vector<2048xf32>
    %reduce_max3A_45 = vector.multi_reduction <maximumf>, %select_n3A, %reduce_max3A_44 [0] : vector<1024x2048xf32> to vector<2048xf32>
    %broadcast_in_dim3A_46 = vector.shape_cast %reduce_max3A_45 : vector<2048xf32> to vector<1x2048xf32>
    %argmax3A_47 = tpu.reduce_index %select_n3A {axis = 0 : i32, kind = #tpu.reduction_kind<arg_max>} : vector<1024x2048xf32> -> vector<2048xi32>
    %broadcast_in_dim3A_48 = vector.shape_cast %argmax3A_47 : vector<2048xi32> to vector<1x2048xi32>
    %eq3A_49 = vector.broadcast %broadcast_in_dim3A_48 : vector<1x2048xi32> to vector<1024x2048xi32>
    %eq3A_50 = arith.cmpi eq, %iota3A, %eq3A_49 : vector<1024x2048xi32>
    %jit3A_51 = arith.constant 0xFF800000 : f32
    %broadcast_in_dim3A_52 = vector.broadcast %jit3A_51 : f32 to vector<1024x2048xf32>
    %select_n3A_53 = arith.select %eq3A_50, %broadcast_in_dim3A_52, %select_n3A : vector<1024x2048xi1>, vector<1024x2048xf32>
    %reduce_max3A_54 = arith.constant dense<0xFF800000> : vector<2048xf32>
    %reduce_max3A_55 = vector.multi_reduction <maximumf>, %select_n3A_53, %reduce_max3A_54 [0] : vector<1024x2048xf32> to vector<2048xf32>
    %broadcast_in_dim3A_56 = vector.shape_cast %reduce_max3A_55 : vector<2048xf32> to vector<1x2048xf32>
    %argmax3A_57 = tpu.reduce_index %select_n3A_53 {axis = 0 : i32, kind = #tpu.reduction_kind<arg_max>} : vector<1024x2048xf32> -> vector<2048xi32>
    %broadcast_in_dim3A_58 = vector.shape_cast %argmax3A_57 : vector<2048xi32> to vector<1x2048xi32>
    %eq3A_59 = vector.broadcast %broadcast_in_dim3A_58 : vector<1x2048xi32> to vector<1024x2048xi32>
    %eq3A_60 = arith.cmpi eq, %iota3A, %eq3A_59 : vector<1024x2048xi32>
    %jit3A_61 = arith.constant 0xFF800000 : f32
    %broadcast_in_dim3A_62 = vector.broadcast %jit3A_61 : f32 to vector<1024x2048xf32>
    %select_n3A_63 = arith.select %eq3A_60, %broadcast_in_dim3A_62, %select_n3A_53 : vector<1024x2048xi1>, vector<1024x2048xf32>
    %reduce_max3A_64 = arith.constant dense<0xFF800000> : vector<2048xf32>
    %reduce_max3A_65 = vector.multi_reduction <maximumf>, %select_n3A_63, %reduce_max3A_64 [0] : vector<1024x2048xf32> to vector<2048xf32>
    %broadcast_in_dim3A_66 = vector.shape_cast %reduce_max3A_65 : vector<2048xf32> to vector<1x2048xf32>
    %argmax3A_67 = tpu.reduce_index %select_n3A_63 {axis = 0 : i32, kind = #tpu.reduction_kind<arg_max>} : vector<1024x2048xf32> -> vector<2048xi32>
    %broadcast_in_dim3A_68 = vector.shape_cast %argmax3A_67 : vector<2048xi32> to vector<1x2048xi32>
    %eq3A_69 = vector.broadcast %broadcast_in_dim3A_68 : vector<1x2048xi32> to vector<1024x2048xi32>
    %eq3A_70 = arith.cmpi eq, %iota3A, %eq3A_69 : vector<1024x2048xi32>
    %jit3A_71 = arith.constant 0xFF800000 : f32
    %broadcast_in_dim3A_72 = vector.broadcast %jit3A_71 : f32 to vector<1024x2048xf32>
    %select_n3A_73 = arith.select %eq3A_70, %broadcast_in_dim3A_72, %select_n3A_63 : vector<1024x2048xi1>, vector<1024x2048xf32>
    %reduce_max3A_74 = arith.constant dense<0xFF800000> : vector<2048xf32>
    %reduce_max3A_75 = vector.multi_reduction <maximumf>, %select_n3A_73, %reduce_max3A_74 [0] : vector<1024x2048xf32> to vector<2048xf32>
    %broadcast_in_dim3A_76 = vector.shape_cast %reduce_max3A_75 : vector<2048xf32> to vector<1x2048xf32>
    %argmax3A_77 = tpu.reduce_index %select_n3A_73 {axis = 0 : i32, kind = #tpu.reduction_kind<arg_max>} : vector<1024x2048xf32> -> vector<2048xi32>
    %broadcast_in_dim3A_78 = vector.shape_cast %argmax3A_77 : vector<2048xi32> to vector<1x2048xi32>
    %eq3A_79 = vector.broadcast %broadcast_in_dim3A_78 : vector<1x2048xi32> to vector<1024x2048xi32>
    %eq3A_80 = arith.cmpi eq, %iota3A, %eq3A_79 : vector<1024x2048xi32>
    %jit3A_81 = arith.constant 0xFF800000 : f32
    %broadcast_in_dim3A_82 = vector.broadcast %jit3A_81 : f32 to vector<1024x2048xf32>
    %select_n3A_83 = arith.select %eq3A_80, %broadcast_in_dim3A_82, %select_n3A_73 : vector<1024x2048xi1>, vector<1024x2048xf32>
    %reduce_max3A_84 = arith.constant dense<0xFF800000> : vector<2048xf32>
    %reduce_max3A_85 = vector.multi_reduction <maximumf>, %select_n3A_83, %reduce_max3A_84 [0] : vector<1024x2048xf32> to vector<2048xf32>
    %broadcast_in_dim3A_86 = vector.shape_cast %reduce_max3A_85 : vector<2048xf32> to vector<1x2048xf32>
    %argmax3A_87 = tpu.reduce_index %select_n3A_83 {axis = 0 : i32, kind = #tpu.reduction_kind<arg_max>} : vector<1024x2048xf32> -> vector<2048xi32>
    %broadcast_in_dim3A_88 = vector.shape_cast %argmax3A_87 : vector<2048xi32> to vector<1x2048xi32>
    %eq3A_89 = vector.broadcast %broadcast_in_dim3A_88 : vector<1x2048xi32> to vector<1024x2048xi32>
    %eq3A_90 = arith.cmpi eq, %iota3A, %eq3A_89 : vector<1024x2048xi32>
    %jit3A_91 = arith.constant 0xFF800000 : f32
    %broadcast_in_dim3A_92 = vector.broadcast %jit3A_91 : f32 to vector<1024x2048xf32>
    %select_n3A_93 = arith.select %eq3A_90, %broadcast_in_dim3A_92, %select_n3A_83 : vector<1024x2048xi1>, vector<1024x2048xf32>
    %reduce_max3A_94 = arith.constant dense<0xFF800000> : vector<2048xf32>
    %reduce_max3A_95 = vector.multi_reduction <maximumf>, %select_n3A_93, %reduce_max3A_94 [0] : vector<1024x2048xf32> to vector<2048xf32>
    %broadcast_in_dim3A_96 = vector.shape_cast %reduce_max3A_95 : vector<2048xf32> to vector<1x2048xf32>
    %argmax3A_97 = tpu.reduce_index %select_n3A_93 {axis = 0 : i32, kind = #tpu.reduction_kind<arg_max>} : vector<1024x2048xf32> -> vector<2048xi32>
    %broadcast_in_dim3A_98 = vector.shape_cast %argmax3A_97 : vector<2048xi32> to vector<1x2048xi32>
    %eq3A_99 = vector.broadcast %broadcast_in_dim3A_98 : vector<1x2048xi32> to vector<1024x2048xi32>
    %eq3A_100 = arith.cmpi eq, %iota3A, %eq3A_99 : vector<1024x2048xi32>
    %jit3A_101 = arith.constant 0xFF800000 : f32
    %broadcast_in_dim3A_102 = vector.broadcast %jit3A_101 : f32 to vector<1024x2048xf32>
    %select_n3A_103 = arith.select %eq3A_100, %broadcast_in_dim3A_102, %select_n3A_93 : vector<1024x2048xi1>, vector<1024x2048xf32>
    %reduce_max3A_104 = arith.constant dense<0xFF800000> : vector<2048xf32>
    %reduce_max3A_105 = vector.multi_reduction <maximumf>, %select_n3A_103, %reduce_max3A_104 [0] : vector<1024x2048xf32> to vector<2048xf32>
    %broadcast_in_dim3A_106 = vector.shape_cast %reduce_max3A_105 : vector<2048xf32> to vector<1x2048xf32>
    %argmax3A_107 = tpu.reduce_index %select_n3A_103 {axis = 0 : i32, kind = #tpu.reduction_kind<arg_max>} : vector<1024x2048xf32> -> vector<2048xi32>
    %broadcast_in_dim3A_108 = vector.shape_cast %argmax3A_107 : vector<2048xi32> to vector<1x2048xi32>
    %concatenate3A_109 = tpu.concatenate %broadcast_in_dim3A, %broadcast_in_dim3A_46, %broadcast_in_dim3A_56, %broadcast_in_dim3A_66, %broadcast_in_dim3A_76, %broadcast_in_dim3A_86, %broadcast_in_dim3A_96, %broadcast_in_dim3A_106 in 0 : vector<1x2048xf32>, vector<1x2048xf32>, vector<1x2048xf32>, vector<1x2048xf32>, vector<1x2048xf32>, vector<1x2048xf32>, vector<1x2048xf32>, vector<1x2048xf32> -> vector<8x2048xf32>
    %concatenate3A_110 = tpu.concatenate %broadcast_in_dim3A_41, %broadcast_in_dim3A_48, %broadcast_in_dim3A_58, %broadcast_in_dim3A_68, %broadcast_in_dim3A_78, %broadcast_in_dim3A_88, %broadcast_in_dim3A_98, %broadcast_in_dim3A_108 in 0 : vector<1x2048xi32>, vector<1x2048xi32>, vector<1x2048xi32>, vector<1x2048xi32>, vector<1x2048xi32>, vector<1x2048xi32>, vector<1x2048xi32>, vector<1x2048xi32> -> vector<8x2048xi32>
    %iota3A_111 = tpu.iota {dimensions = array<i32: 0>} : vector<1024x2048xi32>
    %reduce_max3A_112 = arith.constant dense<0xFF800000> : vector<2048xf32>
    %reduce_max3A_113 = vector.multi_reduction <maximumf>, %dot_general3A_39, %reduce_max3A_112 [0] : vector<1024x2048xf32> to vector<2048xf32>
    %broadcast_in_dim3A_114 = vector.shape_cast %reduce_max3A_113 : vector<2048xf32> to vector<1x2048xf32>
    %argmax3A_115 = tpu.reduce_index %dot_general3A_39 {axis = 0 : i32, kind = #tpu.reduction_kind<arg_max>} : vector<1024x2048xf32> -> vector<2048xi32>
    %broadcast_in_dim3A_116 = vector.shape_cast %argmax3A_115 : vector<2048xi32> to vector<1x2048xi32>
    %eq3A_117 = vector.broadcast %broadcast_in_dim3A_116 : vector<1x2048xi32> to vector<1024x2048xi32>
    %eq3A_118 = arith.cmpi eq, %iota3A_111, %eq3A_117 : vector<1024x2048xi32>
    %jit3A_119 = arith.constant 0xFF800000 : f32
    %broadcast_in_dim3A_120 = vector.broadcast %jit3A_119 : f32 to vector<1024x2048xf32>
    %select_n3A_121 = arith.select %eq3A_118, %broadcast_in_dim3A_120, %dot_general3A_39 : vector<1024x2048xi1>, vector<1024x2048xf32>
    %reduce_max3A_122 = arith.constant dense<0xFF800000> : vector<2048xf32>
    %reduce_max3A_123 = vector.multi_reduction <maximumf>, %select_n3A_121, %reduce_max3A_122 [0] : vector<1024x2048xf32> to vector<2048xf32>
    %broadcast_in_dim3A_124 = vector.shape_cast %reduce_max3A_123 : vector<2048xf32> to vector<1x2048xf32>
    %argmax3A_125 = tpu.reduce_index %select_n3A_121 {axis = 0 : i32, kind = #tpu.reduction_kind<arg_max>} : vector<1024x2048xf32> -> vector<2048xi32>
    %broadcast_in_dim3A_126 = vector.shape_cast %argmax3A_125 : vector<2048xi32> to vector<1x2048xi32>
    %eq3A_127 = vector.broadcast %broadcast_in_dim3A_126 : vector<1x2048xi32> to vector<1024x2048xi32>
    %eq3A_128 = arith.cmpi eq, %iota3A_111, %eq3A_127 : vector<1024x2048xi32>
    %jit3A_129 = arith.constant 0xFF800000 : f32
    %broadcast_in_dim3A_130 = vector.broadcast %jit3A_129 : f32 to vector<1024x2048xf32>
    %select_n3A_131 = arith.select %eq3A_128, %broadcast_in_dim3A_130, %select_n3A_121 : vector<1024x2048xi1>, vector<1024x2048xf32>
    %reduce_max3A_132 = arith.constant dense<0xFF800000> : vector<2048xf32>
    %reduce_max3A_133 = vector.multi_reduction <maximumf>, %select_n3A_131, %reduce_max3A_132 [0] : vector<1024x2048xf32> to vector<2048xf32>
    %broadcast_in_dim3A_134 = vector.shape_cast %reduce_max3A_133 : vector<2048xf32> to vector<1x2048xf32>
    %argmax3A_135 = tpu.reduce_index %select_n3A_131 {axis = 0 : i32, kind = #tpu.reduction_kind<arg_max>} : vector<1024x2048xf32> -> vector<2048xi32>
    %broadcast_in_dim3A_136 = vector.shape_cast %argmax3A_135 : vector<2048xi32> to vector<1x2048xi32>
    %eq3A_137 = vector.broadcast %broadcast_in_dim3A_136 : vector<1x2048xi32> to vector<1024x2048xi32>
    %eq3A_138 = arith.cmpi eq, %iota3A_111, %eq3A_137 : vector<1024x2048xi32>
    %jit3A_139 = arith.constant 0xFF800000 : f32
    %broadcast_in_dim3A_140 = vector.broadcast %jit3A_139 : f32 to vector<1024x2048xf32>
    %select_n3A_141 = arith.select %eq3A_138, %broadcast_in_dim3A_140, %select_n3A_131 : vector<1024x2048xi1>, vector<1024x2048xf32>
    %reduce_max3A_142 = arith.constant dense<0xFF800000> : vector<2048xf32>
    %reduce_max3A_143 = vector.multi_reduction <maximumf>, %select_n3A_141, %reduce_max3A_142 [0] : vector<1024x2048xf32> to vector<2048xf32>
    %broadcast_in_dim3A_144 = vector.shape_cast %reduce_max3A_143 : vector<2048xf32> to vector<1x2048xf32>
    %argmax3A_145 = tpu.reduce_index %select_n3A_141 {axis = 0 : i32, kind = #tpu.reduction_kind<arg_max>} : vector<1024x2048xf32> -> vector<2048xi32>
    %broadcast_in_dim3A_146 = vector.shape_cast %argmax3A_145 : vector<2048xi32> to vector<1x2048xi32>
    %eq3A_147 = vector.broadcast %broadcast_in_dim3A_146 : vector<1x2048xi32> to vector<1024x2048xi32>
    %eq3A_148 = arith.cmpi eq, %iota3A_111, %eq3A_147 : vector<1024x2048xi32>
    %jit3A_149 = arith.constant 0xFF800000 : f32
    %broadcast_in_dim3A_150 = vector.broadcast %jit3A_149 : f32 to vector<1024x2048xf32>
    %select_n3A_151 = arith.select %eq3A_148, %broadcast_in_dim3A_150, %select_n3A_141 : vector<1024x2048xi1>, vector<1024x2048xf32>
    %reduce_max3A_152 = arith.constant dense<0xFF800000> : vector<2048xf32>
    %reduce_max3A_153 = vector.multi_reduction <maximumf>, %select_n3A_151, %reduce_max3A_152 [0] : vector<1024x2048xf32> to vector<2048xf32>
    %broadcast_in_dim3A_154 = vector.shape_cast %reduce_max3A_153 : vector<2048xf32> to vector<1x2048xf32>
    %argmax3A_155 = tpu.reduce_index %select_n3A_151 {axis = 0 : i32, kind = #tpu.reduction_kind<arg_max>} : vector<1024x2048xf32> -> vector<2048xi32>
    %broadcast_in_dim3A_156 = vector.shape_cast %argmax3A_155 : vector<2048xi32> to vector<1x2048xi32>
    %eq3A_157 = vector.broadcast %broadcast_in_dim3A_156 : vector<1x2048xi32> to vector<1024x2048xi32>
    %eq3A_158 = arith.cmpi eq, %iota3A_111, %eq3A_157 : vector<1024x2048xi32>
    %jit3A_159 = arith.constant 0xFF800000 : f32
    %broadcast_in_dim3A_160 = vector.broadcast %jit3A_159 : f32 to vector<1024x2048xf32>
    %select_n3A_161 = arith.select %eq3A_158, %broadcast_in_dim3A_160, %select_n3A_151 : vector<1024x2048xi1>, vector<1024x2048xf32>
    %reduce_max3A_162 = arith.constant dense<0xFF800000> : vector<2048xf32>
    %reduce_max3A_163 = vector.multi_reduction <maximumf>, %select_n3A_161, %reduce_max3A_162 [0] : vector<1024x2048xf32> to vector<2048xf32>
    %broadcast_in_dim3A_164 = vector.shape_cast %reduce_max3A_163 : vector<2048xf32> to vector<1x2048xf32>
    %argmax3A_165 = tpu.reduce_index %select_n3A_161 {axis = 0 : i32, kind = #tpu.reduction_kind<arg_max>} : vector<1024x2048xf32> -> vector<2048xi32>
    %broadcast_in_dim3A_166 = vector.shape_cast %argmax3A_165 : vector<2048xi32> to vector<1x2048xi32>
    %eq3A_167 = vector.broadcast %broadcast_in_dim3A_166 : vector<1x2048xi32> to vector<1024x2048xi32>
    %eq3A_168 = arith.cmpi eq, %iota3A_111, %eq3A_167 : vector<1024x2048xi32>
    %jit3A_169 = arith.constant 0xFF800000 : f32
    %broadcast_in_dim3A_170 = vector.broadcast %jit3A_169 : f32 to vector<1024x2048xf32>
    %select_n3A_171 = arith.select %eq3A_168, %broadcast_in_dim3A_170, %select_n3A_161 : vector<1024x2048xi1>, vector<1024x2048xf32>
    %reduce_max3A_172 = arith.constant dense<0xFF800000> : vector<2048xf32>
    %reduce_max3A_173 = vector.multi_reduction <maximumf>, %select_n3A_171, %reduce_max3A_172 [0] : vector<1024x2048xf32> to vector<2048xf32>
    %broadcast_in_dim3A_174 = vector.shape_cast %reduce_max3A_173 : vector<2048xf32> to vector<1x2048xf32>
    %argmax3A_175 = tpu.reduce_index %select_n3A_171 {axis = 0 : i32, kind = #tpu.reduction_kind<arg_max>} : vector<1024x2048xf32> -> vector<2048xi32>
    %broadcast_in_dim3A_176 = vector.shape_cast %argmax3A_175 : vector<2048xi32> to vector<1x2048xi32>
    %eq3A_177 = vector.broadcast %broadcast_in_dim3A_176 : vector<1x2048xi32> to vector<1024x2048xi32>
    %eq3A_178 = arith.cmpi eq, %iota3A_111, %eq3A_177 : vector<1024x2048xi32>
    %jit3A_179 = arith.constant 0xFF800000 : f32
    %broadcast_in_dim3A_180 = vector.broadcast %jit3A_179 : f32 to vector<1024x2048xf32>
    %select_n3A_181 = arith.select %eq3A_178, %broadcast_in_dim3A_180, %select_n3A_171 : vector<1024x2048xi1>, vector<1024x2048xf32>
    %reduce_max3A_182 = arith.constant dense<0xFF800000> : vector<2048xf32>
    %reduce_max3A_183 = vector.multi_reduction <maximumf>, %select_n3A_181, %reduce_max3A_182 [0] : vector<1024x2048xf32> to vector<2048xf32>
    %broadcast_in_dim3A_184 = vector.shape_cast %reduce_max3A_183 : vector<2048xf32> to vector<1x2048xf32>
    %argmax3A_185 = tpu.reduce_index %select_n3A_181 {axis = 0 : i32, kind = #tpu.reduction_kind<arg_max>} : vector<1024x2048xf32> -> vector<2048xi32>
    %broadcast_in_dim3A_186 = vector.shape_cast %argmax3A_185 : vector<2048xi32> to vector<1x2048xi32>
    %concatenate3A_187 = tpu.concatenate %broadcast_in_dim3A_114, %broadcast_in_dim3A_124, %broadcast_in_dim3A_134, %broadcast_in_dim3A_144, %broadcast_in_dim3A_154, %broadcast_in_dim3A_164, %broadcast_in_dim3A_174, %broadcast_in_dim3A_184 in 0 : vector<1x2048xf32>, vector<1x2048xf32>, vector<1x2048xf32>, vector<1x2048xf32>, vector<1x2048xf32>, vector<1x2048xf32>, vector<1x2048xf32>, vector<1x2048xf32> -> vector<8x2048xf32>
    %concatenate3A_188 = tpu.concatenate %broadcast_in_dim3A_116, %broadcast_in_dim3A_126, %broadcast_in_dim3A_136, %broadcast_in_dim3A_146, %broadcast_in_dim3A_156, %broadcast_in_dim3A_166, %broadcast_in_dim3A_176, %broadcast_in_dim3A_186 in 0 : vector<1x2048xi32>, vector<1x2048xi32>, vector<1x2048xi32>, vector<1x2048xi32>, vector<1x2048xi32>, vector<1x2048xi32>, vector<1x2048xi32>, vector<1x2048xi32> -> vector<8x2048xi32>
    %slice3A_189 = vector.extract_strided_slice %concatenate3A_109 {offsets = [0, 0], sizes = [1, 2048], strides = [1, 1]} : vector<8x2048xf32> to vector<1x2048xf32>
    %add3A_190 = vector.broadcast %slice3A_189 : vector<1x2048xf32> to vector<8x2048xf32>
    %add3A_191 = arith.addf %add3A_190, %concatenate3A_187 : vector<8x2048xf32>
    %slice3A_192 = vector.extract_strided_slice %concatenate3A_109 {offsets = [1, 0], sizes = [1, 2048], strides = [1, 1]} : vector<8x2048xf32> to vector<1x2048xf32>
    %add3A_193 = vector.broadcast %slice3A_192 : vector<1x2048xf32> to vector<8x2048xf32>
    %add3A_194 = arith.addf %add3A_193, %concatenate3A_187 : vector<8x2048xf32>
    %slice3A_195 = vector.extract_strided_slice %concatenate3A_109 {offsets = [2, 0], sizes = [1, 2048], strides = [1, 1]} : vector<8x2048xf32> to vector<1x2048xf32>
    %add3A_196 = vector.broadcast %slice3A_195 : vector<1x2048xf32> to vector<8x2048xf32>
    %add3A_197 = arith.addf %add3A_196, %concatenate3A_187 : vector<8x2048xf32>
    %slice3A_198 = vector.extract_strided_slice %concatenate3A_109 {offsets = [3, 0], sizes = [1, 2048], strides = [1, 1]} : vector<8x2048xf32> to vector<1x2048xf32>
    %add3A_199 = vector.broadcast %slice3A_198 : vector<1x2048xf32> to vector<8x2048xf32>
    %add3A_200 = arith.addf %add3A_199, %concatenate3A_187 : vector<8x2048xf32>
    %slice3A_201 = vector.extract_strided_slice %concatenate3A_109 {offsets = [4, 0], sizes = [1, 2048], strides = [1, 1]} : vector<8x2048xf32> to vector<1x2048xf32>
    %add3A_202 = vector.broadcast %slice3A_201 : vector<1x2048xf32> to vector<8x2048xf32>
    %add3A_203 = arith.addf %add3A_202, %concatenate3A_187 : vector<8x2048xf32>
    %slice3A_204 = vector.extract_strided_slice %concatenate3A_109 {offsets = [5, 0], sizes = [1, 2048], strides = [1, 1]} : vector<8x2048xf32> to vector<1x2048xf32>
    %add3A_205 = vector.broadcast %slice3A_204 : vector<1x2048xf32> to vector<8x2048xf32>
    %add3A_206 = arith.addf %add3A_205, %concatenate3A_187 : vector<8x2048xf32>
    %slice3A_207 = vector.extract_strided_slice %concatenate3A_109 {offsets = [6, 0], sizes = [1, 2048], strides = [1, 1]} : vector<8x2048xf32> to vector<1x2048xf32>
    %add3A_208 = vector.broadcast %slice3A_207 : vector<1x2048xf32> to vector<8x2048xf32>
    %add3A_209 = arith.addf %add3A_208, %concatenate3A_187 : vector<8x2048xf32>
    %slice3A_210 = vector.extract_strided_slice %concatenate3A_109 {offsets = [7, 0], sizes = [1, 2048], strides = [1, 1]} : vector<8x2048xf32> to vector<1x2048xf32>
    %add3A_211 = vector.broadcast %slice3A_210 : vector<1x2048xf32> to vector<8x2048xf32>
    %add3A_212 = arith.addf %add3A_211, %concatenate3A_187 : vector<8x2048xf32>
    %concatenate3A_213 = tpu.concatenate %add3A_191, %add3A_194, %add3A_197, %add3A_200, %add3A_203, %add3A_206, %add3A_209, %add3A_212 in 0 : vector<8x2048xf32>, vector<8x2048xf32>, vector<8x2048xf32>, vector<8x2048xf32>, vector<8x2048xf32>, vector<8x2048xf32>, vector<8x2048xf32>, vector<8x2048xf32> -> vector<64x2048xf32>
    %iota3A_214 = tpu.iota {dimensions = array<i32: 0>} : vector<64x2048xi32>
    %reduce_max3A_215 = arith.constant dense<0xFF800000> : vector<2048xf32>
    %reduce_max3A_216 = vector.multi_reduction <maximumf>, %concatenate3A_213, %reduce_max3A_215 [0] : vector<64x2048xf32> to vector<2048xf32>
    %broadcast_in_dim3A_217 = vector.shape_cast %reduce_max3A_216 : vector<2048xf32> to vector<1x2048xf32>
    %argmax3A_218 = tpu.reduce_index %concatenate3A_213 {axis = 0 : i32, kind = #tpu.reduction_kind<arg_max>} : vector<64x2048xf32> -> vector<2048xi32>
    %broadcast_in_dim3A_219 = vector.shape_cast %argmax3A_218 : vector<2048xi32> to vector<1x2048xi32>
    %eq3A_220 = vector.broadcast %broadcast_in_dim3A_219 : vector<1x2048xi32> to vector<64x2048xi32>
    %eq3A_221 = arith.cmpi eq, %iota3A_214, %eq3A_220 : vector<64x2048xi32>
    %jit3A_222 = arith.constant 0xFF800000 : f32
    %broadcast_in_dim3A_223 = vector.broadcast %jit3A_222 : f32 to vector<64x2048xf32>
    %select_n3A_224 = arith.select %eq3A_221, %broadcast_in_dim3A_223, %concatenate3A_213 : vector<64x2048xi1>, vector<64x2048xf32>
    %reduce_max3A_225 = arith.constant dense<0xFF800000> : vector<2048xf32>
    %reduce_max3A_226 = vector.multi_reduction <maximumf>, %select_n3A_224, %reduce_max3A_225 [0] : vector<64x2048xf32> to vector<2048xf32>
    %broadcast_in_dim3A_227 = vector.shape_cast %reduce_max3A_226 : vector<2048xf32> to vector<1x2048xf32>
    %argmax3A_228 = tpu.reduce_index %select_n3A_224 {axis = 0 : i32, kind = #tpu.reduction_kind<arg_max>} : vector<64x2048xf32> -> vector<2048xi32>
    %broadcast_in_dim3A_229 = vector.shape_cast %argmax3A_228 : vector<2048xi32> to vector<1x2048xi32>
    %eq3A_230 = vector.broadcast %broadcast_in_dim3A_229 : vector<1x2048xi32> to vector<64x2048xi32>
    %eq3A_231 = arith.cmpi eq, %iota3A_214, %eq3A_230 : vector<64x2048xi32>
    %jit3A_232 = arith.constant 0xFF800000 : f32
    %broadcast_in_dim3A_233 = vector.broadcast %jit3A_232 : f32 to vector<64x2048xf32>
    %select_n3A_234 = arith.select %eq3A_231, %broadcast_in_dim3A_233, %select_n3A_224 : vector<64x2048xi1>, vector<64x2048xf32>
    %reduce_max3A_235 = arith.constant dense<0xFF800000> : vector<2048xf32>
    %reduce_max3A_236 = vector.multi_reduction <maximumf>, %select_n3A_234, %reduce_max3A_235 [0] : vector<64x2048xf32> to vector<2048xf32>
    %broadcast_in_dim3A_237 = vector.shape_cast %reduce_max3A_236 : vector<2048xf32> to vector<1x2048xf32>
    %argmax3A_238 = tpu.reduce_index %select_n3A_234 {axis = 0 : i32, kind = #tpu.reduction_kind<arg_max>} : vector<64x2048xf32> -> vector<2048xi32>
    %broadcast_in_dim3A_239 = vector.shape_cast %argmax3A_238 : vector<2048xi32> to vector<1x2048xi32>
    %eq3A_240 = vector.broadcast %broadcast_in_dim3A_239 : vector<1x2048xi32> to vector<64x2048xi32>
    %eq3A_241 = arith.cmpi eq, %iota3A_214, %eq3A_240 : vector<64x2048xi32>
    %jit3A_242 = arith.constant 0xFF800000 : f32
    %broadcast_in_dim3A_243 = vector.broadcast %jit3A_242 : f32 to vector<64x2048xf32>
    %select_n3A_244 = arith.select %eq3A_241, %broadcast_in_dim3A_243, %select_n3A_234 : vector<64x2048xi1>, vector<64x2048xf32>
    %reduce_max3A_245 = arith.constant dense<0xFF800000> : vector<2048xf32>
    %reduce_max3A_246 = vector.multi_reduction <maximumf>, %select_n3A_244, %reduce_max3A_245 [0] : vector<64x2048xf32> to vector<2048xf32>
    %broadcast_in_dim3A_247 = vector.shape_cast %reduce_max3A_246 : vector<2048xf32> to vector<1x2048xf32>
    %argmax3A_248 = tpu.reduce_index %select_n3A_244 {axis = 0 : i32, kind = #tpu.reduction_kind<arg_max>} : vector<64x2048xf32> -> vector<2048xi32>
    %broadcast_in_dim3A_249 = vector.shape_cast %argmax3A_248 : vector<2048xi32> to vector<1x2048xi32>
    %eq3A_250 = vector.broadcast %broadcast_in_dim3A_249 : vector<1x2048xi32> to vector<64x2048xi32>
    %eq3A_251 = arith.cmpi eq, %iota3A_214, %eq3A_250 : vector<64x2048xi32>
    %jit3A_252 = arith.constant 0xFF800000 : f32
    %broadcast_in_dim3A_253 = vector.broadcast %jit3A_252 : f32 to vector<64x2048xf32>
    %select_n3A_254 = arith.select %eq3A_251, %broadcast_in_dim3A_253, %select_n3A_244 : vector<64x2048xi1>, vector<64x2048xf32>
    %reduce_max3A_255 = arith.constant dense<0xFF800000> : vector<2048xf32>
    %reduce_max3A_256 = vector.multi_reduction <maximumf>, %select_n3A_254, %reduce_max3A_255 [0] : vector<64x2048xf32> to vector<2048xf32>
    %broadcast_in_dim3A_257 = vector.shape_cast %reduce_max3A_256 : vector<2048xf32> to vector<1x2048xf32>
    %argmax3A_258 = tpu.reduce_index %select_n3A_254 {axis = 0 : i32, kind = #tpu.reduction_kind<arg_max>} : vector<64x2048xf32> -> vector<2048xi32>
    %broadcast_in_dim3A_259 = vector.shape_cast %argmax3A_258 : vector<2048xi32> to vector<1x2048xi32>
    %eq3A_260 = vector.broadcast %broadcast_in_dim3A_259 : vector<1x2048xi32> to vector<64x2048xi32>
    %eq3A_261 = arith.cmpi eq, %iota3A_214, %eq3A_260 : vector<64x2048xi32>
    %jit3A_262 = arith.constant 0xFF800000 : f32
    %broadcast_in_dim3A_263 = vector.broadcast %jit3A_262 : f32 to vector<64x2048xf32>
    %select_n3A_264 = arith.select %eq3A_261, %broadcast_in_dim3A_263, %select_n3A_254 : vector<64x2048xi1>, vector<64x2048xf32>
    %reduce_max3A_265 = arith.constant dense<0xFF800000> : vector<2048xf32>
    %reduce_max3A_266 = vector.multi_reduction <maximumf>, %select_n3A_264, %reduce_max3A_265 [0] : vector<64x2048xf32> to vector<2048xf32>
    %broadcast_in_dim3A_267 = vector.shape_cast %reduce_max3A_266 : vector<2048xf32> to vector<1x2048xf32>
    %argmax3A_268 = tpu.reduce_index %select_n3A_264 {axis = 0 : i32, kind = #tpu.reduction_kind<arg_max>} : vector<64x2048xf32> -> vector<2048xi32>
    %broadcast_in_dim3A_269 = vector.shape_cast %argmax3A_268 : vector<2048xi32> to vector<1x2048xi32>
    %eq3A_270 = vector.broadcast %broadcast_in_dim3A_269 : vector<1x2048xi32> to vector<64x2048xi32>
    %eq3A_271 = arith.cmpi eq, %iota3A_214, %eq3A_270 : vector<64x2048xi32>
    %jit3A_272 = arith.constant 0xFF800000 : f32
    %broadcast_in_dim3A_273 = vector.broadcast %jit3A_272 : f32 to vector<64x2048xf32>
    %select_n3A_274 = arith.select %eq3A_271, %broadcast_in_dim3A_273, %select_n3A_264 : vector<64x2048xi1>, vector<64x2048xf32>
    %reduce_max3A_275 = arith.constant dense<0xFF800000> : vector<2048xf32>
    %reduce_max3A_276 = vector.multi_reduction <maximumf>, %select_n3A_274, %reduce_max3A_275 [0] : vector<64x2048xf32> to vector<2048xf32>
    %broadcast_in_dim3A_277 = vector.shape_cast %reduce_max3A_276 : vector<2048xf32> to vector<1x2048xf32>
    %argmax3A_278 = tpu.reduce_index %select_n3A_274 {axis = 0 : i32, kind = #tpu.reduction_kind<arg_max>} : vector<64x2048xf32> -> vector<2048xi32>
    %broadcast_in_dim3A_279 = vector.shape_cast %argmax3A_278 : vector<2048xi32> to vector<1x2048xi32>
    %eq3A_280 = vector.broadcast %broadcast_in_dim3A_279 : vector<1x2048xi32> to vector<64x2048xi32>
    %eq3A_281 = arith.cmpi eq, %iota3A_214, %eq3A_280 : vector<64x2048xi32>
    %jit3A_282 = arith.constant 0xFF800000 : f32
    %broadcast_in_dim3A_283 = vector.broadcast %jit3A_282 : f32 to vector<64x2048xf32>
    %select_n3A_284 = arith.select %eq3A_281, %broadcast_in_dim3A_283, %select_n3A_274 : vector<64x2048xi1>, vector<64x2048xf32>
    %reduce_max3A_285 = arith.constant dense<0xFF800000> : vector<2048xf32>
    %reduce_max3A_286 = vector.multi_reduction <maximumf>, %select_n3A_284, %reduce_max3A_285 [0] : vector<64x2048xf32> to vector<2048xf32>
    %broadcast_in_dim3A_287 = vector.shape_cast %reduce_max3A_286 : vector<2048xf32> to vector<1x2048xf32>
    %argmax3A_288 = tpu.reduce_index %select_n3A_284 {axis = 0 : i32, kind = #tpu.reduction_kind<arg_max>} : vector<64x2048xf32> -> vector<2048xi32>
    %broadcast_in_dim3A_289 = vector.shape_cast %argmax3A_288 : vector<2048xi32> to vector<1x2048xi32>
    %concatenate3A_290 = tpu.concatenate %broadcast_in_dim3A_217, %broadcast_in_dim3A_227, %broadcast_in_dim3A_237, %broadcast_in_dim3A_247, %broadcast_in_dim3A_257, %broadcast_in_dim3A_267, %broadcast_in_dim3A_277, %broadcast_in_dim3A_287 in 0 : vector<1x2048xf32>, vector<1x2048xf32>, vector<1x2048xf32>, vector<1x2048xf32>, vector<1x2048xf32>, vector<1x2048xf32>, vector<1x2048xf32>, vector<1x2048xf32> -> vector<8x2048xf32>
    %concatenate3A_291 = tpu.concatenate %broadcast_in_dim3A_219, %broadcast_in_dim3A_229, %broadcast_in_dim3A_239, %broadcast_in_dim3A_249, %broadcast_in_dim3A_259, %broadcast_in_dim3A_269, %broadcast_in_dim3A_279, %broadcast_in_dim3A_289 in 0 : vector<1x2048xi32>, vector<1x2048xi32>, vector<1x2048xi32>, vector<1x2048xi32>, vector<1x2048xi32>, vector<1x2048xi32>, vector<1x2048xi32>, vector<1x2048xi32> -> vector<8x2048xi32>
    %jit3A_292 = arith.constant 8 : i32
    %div3A = vector.broadcast %jit3A_292 : i32 to vector<8x2048xi32>
    %div3A_293 = arith.divsi %concatenate3A_291, %div3A : vector<8x2048xi32>
    %sign3A = arith.constant 0 : i32
    %sign3A_294 = vector.broadcast %sign3A : i32 to vector<8x2048xi32>
    %sign3A_295 = arith.cmpi sgt, %concatenate3A_291, %sign3A_294 : vector<8x2048xi32>
    %sign3A_296 = arith.extui %sign3A_295 : vector<8x2048xi1> to vector<8x2048xi32>
    %sign3A_297 = arith.constant 0 : i32
    %sign3A_298 = vector.broadcast %sign3A_297 : i32 to vector<8x2048xi32>
    %sign3A_299 = arith.cmpi slt, %concatenate3A_291, %sign3A_298 : vector<8x2048xi32>
    %sign3A_300 = arith.extui %sign3A_299 : vector<8x2048xi1> to vector<8x2048xi32>
    %sign3A_301 = arith.subi %sign3A_296, %sign3A_300 : vector<8x2048xi32>
    %sign3A_302 = arith.constant 0 : i32
    %sign3A_303 = arith.cmpi sgt, %jit3A_292, %sign3A_302 : i32
    %sign3A_304 = arith.extui %sign3A_303 : i1 to i32
    %sign3A_305 = arith.constant 0 : i32
    %sign3A_306 = arith.cmpi slt, %jit3A_292, %sign3A_305 : i32
    %sign3A_307 = arith.extui %sign3A_306 : i1 to i32
    %sign3A_308 = arith.subi %sign3A_304, %sign3A_307 : i32
    %ne3A = vector.broadcast %sign3A_308 : i32 to vector<8x2048xi32>
    %ne3A_309 = arith.cmpi ne, %sign3A_301, %ne3A : vector<8x2048xi32>
    %rem3A = vector.broadcast %jit3A_292 : i32 to vector<8x2048xi32>
    %rem3A_310 = arith.remsi %concatenate3A_291, %rem3A : vector<8x2048xi32>
    %ne3A_311 = arith.constant 0 : i32
    %ne3A_312 = vector.broadcast %ne3A_311 : i32 to vector<8x2048xi32>
    %ne3A_313 = arith.cmpi ne, %rem3A_310, %ne3A_312 : vector<8x2048xi32>
    %and3A = arith.andi %ne3A_309, %ne3A_313 : vector<8x2048xi1>
    %sub3A = arith.constant 1 : i32
    %sub3A_314 = vector.broadcast %sub3A : i32 to vector<8x2048xi32>
    %sub3A_315 = arith.subi %div3A_293, %sub3A_314 : vector<8x2048xi32>
    %select_n3A_316 = arith.select %and3A, %sub3A_315, %div3A_293 : vector<8x2048xi1>, vector<8x2048xi32>
    %mul3A = arith.constant 8 : i32
    %mul3A_317 = vector.broadcast %mul3A : i32 to vector<8x2048xi32>
    %mul3A_318 = arith.muli %select_n3A_316, %mul3A_317 : vector<8x2048xi32>
    %sub3A_319 = arith.subi %concatenate3A_291, %mul3A_318 : vector<8x2048xi32>
    %broadcast_in_dim3A_320 = arith.constant 0 : i32
    %broadcast_in_dim3A_321 = vector.broadcast %broadcast_in_dim3A_320 : i32 to vector<8x2048xi32>
    %broadcast_in_dim3A_322 = arith.constant 0 : i32
    %broadcast_in_dim3A_323 = vector.broadcast %broadcast_in_dim3A_322 : i32 to vector<8x2048xi32>
    %eq3A_324 = arith.constant 0 : i32
    %eq3A_325 = vector.broadcast %eq3A_324 : i32 to vector<8x2048xi32>
    %eq3A_326 = arith.cmpi eq, %select_n3A_316, %eq3A_325 : vector<8x2048xi32>
    %slice3A_327 = vector.extract_strided_slice %concatenate3A_110 {offsets = [0, 0], sizes = [1, 2048], strides = [1, 1]} : vector<8x2048xi32> to vector<1x2048xi32>
    %broadcast_in_dim3A_328 = vector.shape_cast %slice3A_327 : vector<1x2048xi32> to vector<1x2048xi32>
    %broadcast_in_dim3A_329 = vector.broadcast %broadcast_in_dim3A_328 : vector<1x2048xi32> to vector<8x2048xi32>
    %select_n3A_330 = arith.select %eq3A_326, %broadcast_in_dim3A_329, %broadcast_in_dim3A_321 : vector<8x2048xi1>, vector<8x2048xi32>
    %eq3A_331 = arith.constant 0 : i32
    %eq3A_332 = vector.broadcast %eq3A_331 : i32 to vector<8x2048xi32>
    %eq3A_333 = arith.cmpi eq, %sub3A_319, %eq3A_332 : vector<8x2048xi32>
    %slice3A_334 = vector.extract_strided_slice %concatenate3A_188 {offsets = [0, 0], sizes = [1, 2048], strides = [1, 1]} : vector<8x2048xi32> to vector<1x2048xi32>
    %broadcast_in_dim3A_335 = vector.shape_cast %slice3A_334 : vector<1x2048xi32> to vector<1x2048xi32>
    %broadcast_in_dim3A_336 = vector.broadcast %broadcast_in_dim3A_335 : vector<1x2048xi32> to vector<8x2048xi32>
    %select_n3A_337 = arith.select %eq3A_333, %broadcast_in_dim3A_336, %broadcast_in_dim3A_323 : vector<8x2048xi1>, vector<8x2048xi32>
    %eq3A_338 = arith.constant 1 : i32
    %eq3A_339 = vector.broadcast %eq3A_338 : i32 to vector<8x2048xi32>
    %eq3A_340 = arith.cmpi eq, %select_n3A_316, %eq3A_339 : vector<8x2048xi32>
    %slice3A_341 = vector.extract_strided_slice %concatenate3A_110 {offsets = [1, 0], sizes = [1, 2048], strides = [1, 1]} : vector<8x2048xi32> to vector<1x2048xi32>
    %broadcast_in_dim3A_342 = vector.shape_cast %slice3A_341 : vector<1x2048xi32> to vector<1x2048xi32>
    %broadcast_in_dim3A_343 = vector.broadcast %broadcast_in_dim3A_342 : vector<1x2048xi32> to vector<8x2048xi32>
    %select_n3A_344 = arith.select %eq3A_340, %broadcast_in_dim3A_343, %select_n3A_330 : vector<8x2048xi1>, vector<8x2048xi32>
    %eq3A_345 = arith.constant 1 : i32
    %eq3A_346 = vector.broadcast %eq3A_345 : i32 to vector<8x2048xi32>
    %eq3A_347 = arith.cmpi eq, %sub3A_319, %eq3A_346 : vector<8x2048xi32>
    %slice3A_348 = vector.extract_strided_slice %concatenate3A_188 {offsets = [1, 0], sizes = [1, 2048], strides = [1, 1]} : vector<8x2048xi32> to vector<1x2048xi32>
    %broadcast_in_dim3A_349 = vector.shape_cast %slice3A_348 : vector<1x2048xi32> to vector<1x2048xi32>
    %broadcast_in_dim3A_350 = vector.broadcast %broadcast_in_dim3A_349 : vector<1x2048xi32> to vector<8x2048xi32>
    %select_n3A_351 = arith.select %eq3A_347, %broadcast_in_dim3A_350, %select_n3A_337 : vector<8x2048xi1>, vector<8x2048xi32>
    %eq3A_352 = arith.constant 2 : i32
    %eq3A_353 = vector.broadcast %eq3A_352 : i32 to vector<8x2048xi32>
    %eq3A_354 = arith.cmpi eq, %select_n3A_316, %eq3A_353 : vector<8x2048xi32>
    %slice3A_355 = vector.extract_strided_slice %concatenate3A_110 {offsets = [2, 0], sizes = [1, 2048], strides = [1, 1]} : vector<8x2048xi32> to vector<1x2048xi32>
    %broadcast_in_dim3A_356 = vector.shape_cast %slice3A_355 : vector<1x2048xi32> to vector<1x2048xi32>
    %broadcast_in_dim3A_357 = vector.broadcast %broadcast_in_dim3A_356 : vector<1x2048xi32> to vector<8x2048xi32>
    %select_n3A_358 = arith.select %eq3A_354, %broadcast_in_dim3A_357, %select_n3A_344 : vector<8x2048xi1>, vector<8x2048xi32>
    %eq3A_359 = arith.constant 2 : i32
    %eq3A_360 = vector.broadcast %eq3A_359 : i32 to vector<8x2048xi32>
    %eq3A_361 = arith.cmpi eq, %sub3A_319, %eq3A_360 : vector<8x2048xi32>
    %slice3A_362 = vector.extract_strided_slice %concatenate3A_188 {offsets = [2, 0], sizes = [1, 2048], strides = [1, 1]} : vector<8x2048xi32> to vector<1x2048xi32>
    %broadcast_in_dim3A_363 = vector.shape_cast %slice3A_362 : vector<1x2048xi32> to vector<1x2048xi32>
    %broadcast_in_dim3A_364 = vector.broadcast %broadcast_in_dim3A_363 : vector<1x2048xi32> to vector<8x2048xi32>
    %select_n3A_365 = arith.select %eq3A_361, %broadcast_in_dim3A_364, %select_n3A_351 : vector<8x2048xi1>, vector<8x2048xi32>
    %eq3A_366 = arith.constant 3 : i32
    %eq3A_367 = vector.broadcast %eq3A_366 : i32 to vector<8x2048xi32>
    %eq3A_368 = arith.cmpi eq, %select_n3A_316, %eq3A_367 : vector<8x2048xi32>
    %slice3A_369 = vector.extract_strided_slice %concatenate3A_110 {offsets = [3, 0], sizes = [1, 2048], strides = [1, 1]} : vector<8x2048xi32> to vector<1x2048xi32>
    %broadcast_in_dim3A_370 = vector.shape_cast %slice3A_369 : vector<1x2048xi32> to vector<1x2048xi32>
    %broadcast_in_dim3A_371 = vector.broadcast %broadcast_in_dim3A_370 : vector<1x2048xi32> to vector<8x2048xi32>
    %select_n3A_372 = arith.select %eq3A_368, %broadcast_in_dim3A_371, %select_n3A_358 : vector<8x2048xi1>, vector<8x2048xi32>
    %eq3A_373 = arith.constant 3 : i32
    %eq3A_374 = vector.broadcast %eq3A_373 : i32 to vector<8x2048xi32>
    %eq3A_375 = arith.cmpi eq, %sub3A_319, %eq3A_374 : vector<8x2048xi32>
    %slice3A_376 = vector.extract_strided_slice %concatenate3A_188 {offsets = [3, 0], sizes = [1, 2048], strides = [1, 1]} : vector<8x2048xi32> to vector<1x2048xi32>
    %broadcast_in_dim3A_377 = vector.shape_cast %slice3A_376 : vector<1x2048xi32> to vector<1x2048xi32>
    %broadcast_in_dim3A_378 = vector.broadcast %broadcast_in_dim3A_377 : vector<1x2048xi32> to vector<8x2048xi32>
    %select_n3A_379 = arith.select %eq3A_375, %broadcast_in_dim3A_378, %select_n3A_365 : vector<8x2048xi1>, vector<8x2048xi32>
    %eq3A_380 = arith.constant 4 : i32
    %eq3A_381 = vector.broadcast %eq3A_380 : i32 to vector<8x2048xi32>
    %eq3A_382 = arith.cmpi eq, %select_n3A_316, %eq3A_381 : vector<8x2048xi32>
    %slice3A_383 = vector.extract_strided_slice %concatenate3A_110 {offsets = [4, 0], sizes = [1, 2048], strides = [1, 1]} : vector<8x2048xi32> to vector<1x2048xi32>
    %broadcast_in_dim3A_384 = vector.shape_cast %slice3A_383 : vector<1x2048xi32> to vector<1x2048xi32>
    %broadcast_in_dim3A_385 = vector.broadcast %broadcast_in_dim3A_384 : vector<1x2048xi32> to vector<8x2048xi32>
    %select_n3A_386 = arith.select %eq3A_382, %broadcast_in_dim3A_385, %select_n3A_372 : vector<8x2048xi1>, vector<8x2048xi32>
    %eq3A_387 = arith.constant 4 : i32
    %eq3A_388 = vector.broadcast %eq3A_387 : i32 to vector<8x2048xi32>
    %eq3A_389 = arith.cmpi eq, %sub3A_319, %eq3A_388 : vector<8x2048xi32>
    %slice3A_390 = vector.extract_strided_slice %concatenate3A_188 {offsets = [4, 0], sizes = [1, 2048], strides = [1, 1]} : vector<8x2048xi32> to vector<1x2048xi32>
    %broadcast_in_dim3A_391 = vector.shape_cast %slice3A_390 : vector<1x2048xi32> to vector<1x2048xi32>
    %broadcast_in_dim3A_392 = vector.broadcast %broadcast_in_dim3A_391 : vector<1x2048xi32> to vector<8x2048xi32>
    %select_n3A_393 = arith.select %eq3A_389, %broadcast_in_dim3A_392, %select_n3A_379 : vector<8x2048xi1>, vector<8x2048xi32>
    %eq3A_394 = arith.constant 5 : i32
    %eq3A_395 = vector.broadcast %eq3A_394 : i32 to vector<8x2048xi32>
    %eq3A_396 = arith.cmpi eq, %select_n3A_316, %eq3A_395 : vector<8x2048xi32>
    %slice3A_397 = vector.extract_strided_slice %concatenate3A_110 {offsets = [5, 0], sizes = [1, 2048], strides = [1, 1]} : vector<8x2048xi32> to vector<1x2048xi32>
    %broadcast_in_dim3A_398 = vector.shape_cast %slice3A_397 : vector<1x2048xi32> to vector<1x2048xi32>
    %broadcast_in_dim3A_399 = vector.broadcast %broadcast_in_dim3A_398 : vector<1x2048xi32> to vector<8x2048xi32>
    %select_n3A_400 = arith.select %eq3A_396, %broadcast_in_dim3A_399, %select_n3A_386 : vector<8x2048xi1>, vector<8x2048xi32>
    %eq3A_401 = arith.constant 5 : i32
    %eq3A_402 = vector.broadcast %eq3A_401 : i32 to vector<8x2048xi32>
    %eq3A_403 = arith.cmpi eq, %sub3A_319, %eq3A_402 : vector<8x2048xi32>
    %slice3A_404 = vector.extract_strided_slice %concatenate3A_188 {offsets = [5, 0], sizes = [1, 2048], strides = [1, 1]} : vector<8x2048xi32> to vector<1x2048xi32>
    %broadcast_in_dim3A_405 = vector.shape_cast %slice3A_404 : vector<1x2048xi32> to vector<1x2048xi32>
    %broadcast_in_dim3A_406 = vector.broadcast %broadcast_in_dim3A_405 : vector<1x2048xi32> to vector<8x2048xi32>
    %select_n3A_407 = arith.select %eq3A_403, %broadcast_in_dim3A_406, %select_n3A_393 : vector<8x2048xi1>, vector<8x2048xi32>
    %eq3A_408 = arith.constant 6 : i32
    %eq3A_409 = vector.broadcast %eq3A_408 : i32 to vector<8x2048xi32>
    %eq3A_410 = arith.cmpi eq, %select_n3A_316, %eq3A_409 : vector<8x2048xi32>
    %slice3A_411 = vector.extract_strided_slice %concatenate3A_110 {offsets = [6, 0], sizes = [1, 2048], strides = [1, 1]} : vector<8x2048xi32> to vector<1x2048xi32>
    %broadcast_in_dim3A_412 = vector.shape_cast %slice3A_411 : vector<1x2048xi32> to vector<1x2048xi32>
    %broadcast_in_dim3A_413 = vector.broadcast %broadcast_in_dim3A_412 : vector<1x2048xi32> to vector<8x2048xi32>
    %select_n3A_414 = arith.select %eq3A_410, %broadcast_in_dim3A_413, %select_n3A_400 : vector<8x2048xi1>, vector<8x2048xi32>
    %eq3A_415 = arith.constant 6 : i32
    %eq3A_416 = vector.broadcast %eq3A_415 : i32 to vector<8x2048xi32>
    %eq3A_417 = arith.cmpi eq, %sub3A_319, %eq3A_416 : vector<8x2048xi32>
    %slice3A_418 = vector.extract_strided_slice %concatenate3A_188 {offsets = [6, 0], sizes = [1, 2048], strides = [1, 1]} : vector<8x2048xi32> to vector<1x2048xi32>
    %broadcast_in_dim3A_419 = vector.shape_cast %slice3A_418 : vector<1x2048xi32> to vector<1x2048xi32>
    %broadcast_in_dim3A_420 = vector.broadcast %broadcast_in_dim3A_419 : vector<1x2048xi32> to vector<8x2048xi32>
    %select_n3A_421 = arith.select %eq3A_417, %broadcast_in_dim3A_420, %select_n3A_407 : vector<8x2048xi1>, vector<8x2048xi32>
    %eq3A_422 = arith.constant 7 : i32
    %eq3A_423 = vector.broadcast %eq3A_422 : i32 to vector<8x2048xi32>
    %eq3A_424 = arith.cmpi eq, %select_n3A_316, %eq3A_423 : vector<8x2048xi32>
    %slice3A_425 = vector.extract_strided_slice %concatenate3A_110 {offsets = [7, 0], sizes = [1, 2048], strides = [1, 1]} : vector<8x2048xi32> to vector<1x2048xi32>
    %broadcast_in_dim3A_426 = vector.shape_cast %slice3A_425 : vector<1x2048xi32> to vector<1x2048xi32>
    %broadcast_in_dim3A_427 = vector.broadcast %broadcast_in_dim3A_426 : vector<1x2048xi32> to vector<8x2048xi32>
    %select_n3A_428 = arith.select %eq3A_424, %broadcast_in_dim3A_427, %select_n3A_414 : vector<8x2048xi1>, vector<8x2048xi32>
    %eq3A_429 = arith.constant 7 : i32
    %eq3A_430 = vector.broadcast %eq3A_429 : i32 to vector<8x2048xi32>
    %eq3A_431 = arith.cmpi eq, %sub3A_319, %eq3A_430 : vector<8x2048xi32>
    %slice3A_432 = vector.extract_strided_slice %concatenate3A_188 {offsets = [7, 0], sizes = [1, 2048], strides = [1, 1]} : vector<8x2048xi32> to vector<1x2048xi32>
    %broadcast_in_dim3A_433 = vector.shape_cast %slice3A_432 : vector<1x2048xi32> to vector<1x2048xi32>
    %broadcast_in_dim3A_434 = vector.broadcast %broadcast_in_dim3A_433 : vector<1x2048xi32> to vector<8x2048xi32>
    %select_n3A_435 = arith.select %eq3A_431, %broadcast_in_dim3A_434, %select_n3A_421 : vector<8x2048xi1>, vector<8x2048xi32>
    %mul3A_436 = arith.constant 1024 : i32
    %mul3A_437 = vector.broadcast %mul3A_436 : i32 to vector<8x2048xi32>
    %mul3A_438 = arith.muli %select_n3A_428, %mul3A_437 : vector<8x2048xi32>
    %add3A_439 = arith.addi %mul3A_438, %select_n3A_435 : vector<8x2048xi32>
    %slice3A_440 = vector.extract_strided_slice %concatenate3A_290 {offsets = [0, 0], sizes = [8, 256], strides = [1, 1]} : vector<8x2048xf32> to vector<8x256xf32>
    %swap3A = arith.constant 0 : index
    %swap3A_441 = arith.constant 0 : index
    %swap3A_442 = arith.constant 0 : index
    %swap3A_443 = vector.load %arg6[%swap3A, %swap3A_441, %swap3A_442] : memref<1x64x256xf32, #tpu.memory_space<vmem>>, vector<1x8x256xf32>
    %swap3A_444 = vector.shape_cast %swap3A_443 : vector<1x8x256xf32> to vector<8x256xf32>
    %swap3A_445 = vector.shape_cast %slice3A_440 : vector<8x256xf32> to vector<1x8x256xf32>
    tpu.vector_store %arg6[%swap3A, %swap3A_441, %swap3A_442], %swap3A_445 {strides = array<i32>} : memref<1x64x256xf32, #tpu.memory_space<vmem>>, vector<1x8x256xf32>,
    %slice3A_446 = vector.extract_strided_slice %add3A_439 {offsets = [0, 0], sizes = [8, 256], strides = [1, 1]} : vector<8x2048xi32> to vector<8x256xi32>
    %swap3A_447 = arith.constant 0 : index
    %swap3A_448 = arith.constant 0 : index
    %swap3A_449 = arith.constant 0 : index
    %swap3A_450 = vector.load %arg7[%swap3A_447, %swap3A_448, %swap3A_449] : memref<1x64x256xi32, #tpu.memory_space<vmem>>, vector<1x8x256xi32>
    %swap3A_451 = vector.shape_cast %swap3A_450 : vector<1x8x256xi32> to vector<8x256xi32>
    %swap3A_452 = vector.shape_cast %slice3A_446 : vector<8x256xi32> to vector<1x8x256xi32>
    tpu.vector_store %arg7[%swap3A_447, %swap3A_448, %swap3A_449], %swap3A_452 {strides = array<i32>} : memref<1x64x256xi32, #tpu.memory_space<vmem>>, vector<1x8x256xi32>,
    %slice3A_453 = vector.extract_strided_slice %concatenate3A_290 {offsets = [0, 256], sizes = [8, 256], strides = [1, 1]} : vector<8x2048xf32> to vector<8x256xf32>
    %swap3A_454 = arith.constant 0 : index
    %swap3A_455 = arith.constant 8 : index
    %swap3A_456 = arith.constant 0 : index
    %swap3A_457 = vector.load %arg6[%swap3A_454, %swap3A_455, %swap3A_456] : memref<1x64x256xf32, #tpu.memory_space<vmem>>, vector<1x8x256xf32>
    %swap3A_458 = vector.shape_cast %swap3A_457 : vector<1x8x256xf32> to vector<8x256xf32>
    %swap3A_459 = vector.shape_cast %slice3A_453 : vector<8x256xf32> to vector<1x8x256xf32>
    tpu.vector_store %arg6[%swap3A_454, %swap3A_455, %swap3A_456], %swap3A_459 {strides = array<i32>} : memref<1x64x256xf32, #tpu.memory_space<vmem>>, vector<1x8x256xf32>,
    %slice3A_460 = vector.extract_strided_slice %add3A_439 {offsets = [0, 256], sizes = [8, 256], strides = [1, 1]} : vector<8x2048xi32> to vector<8x256xi32>
    %swap3A_461 = arith.constant 0 : index
    %swap3A_462 = arith.constant 8 : index
    %swap3A_463 = arith.constant 0 : index
    %swap3A_464 = vector.load %arg7[%swap3A_461, %swap3A_462, %swap3A_463] : memref<1x64x256xi32, #tpu.memory_space<vmem>>, vector<1x8x256xi32>
    %swap3A_465 = vector.shape_cast %swap3A_464 : vector<1x8x256xi32> to vector<8x256xi32>
    %swap3A_466 = vector.shape_cast %slice3A_460 : vector<8x256xi32> to vector<1x8x256xi32>
    tpu.vector_store %arg7[%swap3A_461, %swap3A_462, %swap3A_463], %swap3A_466 {strides = array<i32>} : memref<1x64x256xi32, #tpu.memory_space<vmem>>, vector<1x8x256xi32>,
    %slice3A_467 = vector.extract_strided_slice %concatenate3A_290 {offsets = [0, 512], sizes = [8, 256], strides = [1, 1]} : vector<8x2048xf32> to vector<8x256xf32>
    %swap3A_468 = arith.constant 0 : index
    %swap3A_469 = arith.constant 16 : index
    %swap3A_470 = arith.constant 0 : index
    %swap3A_471 = vector.load %arg6[%swap3A_468, %swap3A_469, %swap3A_470] : memref<1x64x256xf32, #tpu.memory_space<vmem>>, vector<1x8x256xf32>
    %swap3A_472 = vector.shape_cast %swap3A_471 : vector<1x8x256xf32> to vector<8x256xf32>
    %swap3A_473 = vector.shape_cast %slice3A_467 : vector<8x256xf32> to vector<1x8x256xf32>
    tpu.vector_store %arg6[%swap3A_468, %swap3A_469, %swap3A_470], %swap3A_473 {strides = array<i32>} : memref<1x64x256xf32, #tpu.memory_space<vmem>>, vector<1x8x256xf32>,
    %slice3A_474 = vector.extract_strided_slice %add3A_439 {offsets = [0, 512], sizes = [8, 256], strides = [1, 1]} : vector<8x2048xi32> to vector<8x256xi32>
    %swap3A_475 = arith.constant 0 : index
    %swap3A_476 = arith.constant 16 : index
    %swap3A_477 = arith.constant 0 : index
    %swap3A_478 = vector.load %arg7[%swap3A_475, %swap3A_476, %swap3A_477] : memref<1x64x256xi32, #tpu.memory_space<vmem>>, vector<1x8x256xi32>
    %swap3A_479 = vector.shape_cast %swap3A_478 : vector<1x8x256xi32> to vector<8x256xi32>
    %swap3A_480 = vector.shape_cast %slice3A_474 : vector<8x256xi32> to vector<1x8x256xi32>
    tpu.vector_store %arg7[%swap3A_475, %swap3A_476, %swap3A_477], %swap3A_480 {strides = array<i32>} : memref<1x64x256xi32, #tpu.memory_space<vmem>>, vector<1x8x256xi32>,
    %slice3A_481 = vector.extract_strided_slice %concatenate3A_290 {offsets = [0, 768], sizes = [8, 256], strides = [1, 1]} : vector<8x2048xf32> to vector<8x256xf32>
    %swap3A_482 = arith.constant 0 : index
    %swap3A_483 = arith.constant 24 : index
    %swap3A_484 = arith.constant 0 : index
    %swap3A_485 = vector.load %arg6[%swap3A_482, %swap3A_483, %swap3A_484] : memref<1x64x256xf32, #tpu.memory_space<vmem>>, vector<1x8x256xf32>
    %swap3A_486 = vector.shape_cast %swap3A_485 : vector<1x8x256xf32> to vector<8x256xf32>
    %swap3A_487 = vector.shape_cast %slice3A_481 : vector<8x256xf32> to vector<1x8x256xf32>
    tpu.vector_store %arg6[%swap3A_482, %swap3A_483, %swap3A_484], %swap3A_487 {strides = array<i32>} : memref<1x64x256xf32, #tpu.memory_space<vmem>>, vector<1x8x256xf32>,
    %slice3A_488 = vector.extract_strided_slice %add3A_439 {offsets = [0, 768], sizes = [8, 256], strides = [1, 1]} : vector<8x2048xi32> to vector<8x256xi32>
    %swap3A_489 = arith.constant 0 : index
    %swap3A_490 = arith.constant 24 : index
    %swap3A_491 = arith.constant 0 : index
    %swap3A_492 = vector.load %arg7[%swap3A_489, %swap3A_490, %swap3A_491] : memref<1x64x256xi32, #tpu.memory_space<vmem>>, vector<1x8x256xi32>
    %swap3A_493 = vector.shape_cast %swap3A_492 : vector<1x8x256xi32> to vector<8x256xi32>
    %swap3A_494 = vector.shape_cast %slice3A_488 : vector<8x256xi32> to vector<1x8x256xi32>
    tpu.vector_store %arg7[%swap3A_489, %swap3A_490, %swap3A_491], %swap3A_494 {strides = array<i32>} : memref<1x64x256xi32, #tpu.memory_space<vmem>>, vector<1x8x256xi32>,
    %slice3A_495 = vector.extract_strided_slice %concatenate3A_290 {offsets = [0, 1024], sizes = [8, 256], strides = [1, 1]} : vector<8x2048xf32> to vector<8x256xf32>
    %swap3A_496 = arith.constant 0 : index
    %swap3A_497 = arith.constant 32 : index
    %swap3A_498 = arith.constant 0 : index
    %swap3A_499 = vector.load %arg6[%swap3A_496, %swap3A_497, %swap3A_498] : memref<1x64x256xf32, #tpu.memory_space<vmem>>, vector<1x8x256xf32>
    %swap3A_500 = vector.shape_cast %swap3A_499 : vector<1x8x256xf32> to vector<8x256xf32>
    %swap3A_501 = vector.shape_cast %slice3A_495 : vector<8x256xf32> to vector<1x8x256xf32>
    tpu.vector_store %arg6[%swap3A_496, %swap3A_497, %swap3A_498], %swap3A_501 {strides = array<i32>} : memref<1x64x256xf32, #tpu.memory_space<vmem>>, vector<1x8x256xf32>,
    %slice3A_502 = vector.extract_strided_slice %add3A_439 {offsets = [0, 1024], sizes = [8, 256], strides = [1, 1]} : vector<8x2048xi32> to vector<8x256xi32>
    %swap3A_503 = arith.constant 0 : index
    %swap3A_504 = arith.constant 32 : index
    %swap3A_505 = arith.constant 0 : index
    %swap3A_506 = vector.load %arg7[%swap3A_503, %swap3A_504, %swap3A_505] : memref<1x64x256xi32, #tpu.memory_space<vmem>>, vector<1x8x256xi32>
    %swap3A_507 = vector.shape_cast %swap3A_506 : vector<1x8x256xi32> to vector<8x256xi32>
    %swap3A_508 = vector.shape_cast %slice3A_502 : vector<8x256xi32> to vector<1x8x256xi32>
    tpu.vector_store %arg7[%swap3A_503, %swap3A_504, %swap3A_505], %swap3A_508 {strides = array<i32>} : memref<1x64x256xi32, #tpu.memory_space<vmem>>, vector<1x8x256xi32>,
    %slice3A_509 = vector.extract_strided_slice %concatenate3A_290 {offsets = [0, 1280], sizes = [8, 256], strides = [1, 1]} : vector<8x2048xf32> to vector<8x256xf32>
    %swap3A_510 = arith.constant 0 : index
    %swap3A_511 = arith.constant 40 : index
    %swap3A_512 = arith.constant 0 : index
    %swap3A_513 = vector.load %arg6[%swap3A_510, %swap3A_511, %swap3A_512] : memref<1x64x256xf32, #tpu.memory_space<vmem>>, vector<1x8x256xf32>
    %swap3A_514 = vector.shape_cast %swap3A_513 : vector<1x8x256xf32> to vector<8x256xf32>
    %swap3A_515 = vector.shape_cast %slice3A_509 : vector<8x256xf32> to vector<1x8x256xf32>
    tpu.vector_store %arg6[%swap3A_510, %swap3A_511, %swap3A_512], %swap3A_515 {strides = array<i32>} : memref<1x64x256xf32, #tpu.memory_space<vmem>>, vector<1x8x256xf32>,
    %slice3A_516 = vector.extract_strided_slice %add3A_439 {offsets = [0, 1280], sizes = [8, 256], strides = [1, 1]} : vector<8x2048xi32> to vector<8x256xi32>
    %swap3A_517 = arith.constant 0 : index
    %swap3A_518 = arith.constant 40 : index
    %swap3A_519 = arith.constant 0 : index
    %swap3A_520 = vector.load %arg7[%swap3A_517, %swap3A_518, %swap3A_519] : memref<1x64x256xi32, #tpu.memory_space<vmem>>, vector<1x8x256xi32>
    %swap3A_521 = vector.shape_cast %swap3A_520 : vector<1x8x256xi32> to vector<8x256xi32>
    %swap3A_522 = vector.shape_cast %slice3A_516 : vector<8x256xi32> to vector<1x8x256xi32>
    tpu.vector_store %arg7[%swap3A_517, %swap3A_518, %swap3A_519], %swap3A_522 {strides = array<i32>} : memref<1x64x256xi32, #tpu.memory_space<vmem>>, vector<1x8x256xi32>,
    %slice3A_523 = vector.extract_strided_slice %concatenate3A_290 {offsets = [0, 1536], sizes = [8, 256], strides = [1, 1]} : vector<8x2048xf32> to vector<8x256xf32>
    %swap3A_524 = arith.constant 0 : index
    %swap3A_525 = arith.constant 48 : index
    %swap3A_526 = arith.constant 0 : index
    %swap3A_527 = vector.load %arg6[%swap3A_524, %swap3A_525, %swap3A_526] : memref<1x64x256xf32, #tpu.memory_space<vmem>>, vector<1x8x256xf32>
    %swap3A_528 = vector.shape_cast %swap3A_527 : vector<1x8x256xf32> to vector<8x256xf32>
    %swap3A_529 = vector.shape_cast %slice3A_523 : vector<8x256xf32> to vector<1x8x256xf32>
    tpu.vector_store %arg6[%swap3A_524, %swap3A_525, %swap3A_526], %swap3A_529 {strides = array<i32>} : memref<1x64x256xf32, #tpu.memory_space<vmem>>, vector<1x8x256xf32>,
    %slice3A_530 = vector.extract_strided_slice %add3A_439 {offsets = [0, 1536], sizes = [8, 256], strides = [1, 1]} : vector<8x2048xi32> to vector<8x256xi32>
    %swap3A_531 = arith.constant 0 : index
    %swap3A_532 = arith.constant 48 : index
    %swap3A_533 = arith.constant 0 : index
    %swap3A_534 = vector.load %arg7[%swap3A_531, %swap3A_532, %swap3A_533] : memref<1x64x256xi32, #tpu.memory_space<vmem>>, vector<1x8x256xi32>
    %swap3A_535 = vector.shape_cast %swap3A_534 : vector<1x8x256xi32> to vector<8x256xi32>
    %swap3A_536 = vector.shape_cast %slice3A_530 : vector<8x256xi32> to vector<1x8x256xi32>
    tpu.vector_store %arg7[%swap3A_531, %swap3A_532, %swap3A_533], %swap3A_536 {strides = array<i32>} : memref<1x64x256xi32, #tpu.memory_space<vmem>>, vector<1x8x256xi32>,
    %slice3A_537 = vector.extract_strided_slice %concatenate3A_290 {offsets = [0, 1792], sizes = [8, 256], strides = [1, 1]} : vector<8x2048xf32> to vector<8x256xf32>
    %swap3A_538 = arith.constant 0 : index
    %swap3A_539 = arith.constant 56 : index
    %swap3A_540 = arith.constant 0 : index
    %swap3A_541 = vector.load %arg6[%swap3A_538, %swap3A_539, %swap3A_540] : memref<1x64x256xf32, #tpu.memory_space<vmem>>, vector<1x8x256xf32>
    %swap3A_542 = vector.shape_cast %swap3A_541 : vector<1x8x256xf32> to vector<8x256xf32>
    %swap3A_543 = vector.shape_cast %slice3A_537 : vector<8x256xf32> to vector<1x8x256xf32>
    tpu.vector_store %arg6[%swap3A_538, %swap3A_539, %swap3A_540], %swap3A_543 {strides = array<i32>} : memref<1x64x256xf32, #tpu.memory_space<vmem>>, vector<1x8x256xf32>,
    %slice3A_544 = vector.extract_strided_slice %add3A_439 {offsets = [0, 1792], sizes = [8, 256], strides = [1, 1]} : vector<8x2048xi32> to vector<8x256xi32>
    %swap3A_545 = arith.constant 0 : index
    %swap3A_546 = arith.constant 56 : index
    %swap3A_547 = arith.constant 0 : index
    %swap3A_548 = vector.load %arg7[%swap3A_545, %swap3A_546, %swap3A_547] : memref<1x64x256xi32, #tpu.memory_space<vmem>>, vector<1x8x256xi32>
    %swap3A_549 = vector.shape_cast %swap3A_548 : vector<1x8x256xi32> to vector<8x256xi32>
    %swap3A_550 = vector.shape_cast %slice3A_544 : vector<8x256xi32> to vector<1x8x256xi32>
    tpu.vector_store %arg7[%swap3A_545, %swap3A_546, %swap3A_547], %swap3A_550 {strides = array<i32>} : memref<1x64x256xi32, #tpu.memory_space<vmem>>, vector<1x8x256xi32>,
    return
  }
  func.func @transform_0(%arg0: i32) -> (i32, i32) {
    %c0_i32 = arith.constant 0 : i32
    %c0_i32_0 = arith.constant 0 : i32
    return %c0_i32, %arg0 : i32, i32
  }
  func.func @transform_1(%arg0: i32) -> (i32, i32) {
    %c0_i32 = arith.constant 0 : i32
    %c0_i32_0 = arith.constant 0 : i32
    %c0_i32_1 = arith.constant 0 : i32
    return %c0_i32, %c0_i32_0 : i32, i32
  }
  func.func @transform_2(%arg0: i32) -> (i32, i32) {
    %c0_i32 = arith.constant 0 : i32
    %c0_i32_0 = arith.constant 0 : i32
    %c0_i32_1 = arith.constant 0 : i32
    return %c0_i32, %c0_i32_0 : i32, i32
  }
  func.func @transform_3(%arg0: i32) -> (i32, i32, i32) {
    %jit3A = arith.constant 4 : i32
    %div3A = arith.divsi %arg0, %jit3A : i32
    %sign3A = arith.constant 0 : i32
    %sign3A_0 = arith.cmpi sgt, %arg0, %sign3A : i32
    %sign3A_1 = arith.extui %sign3A_0 : i1 to i32
    %sign3A_2 = arith.constant 0 : i32
    %sign3A_3 = arith.cmpi slt, %arg0, %sign3A_2 : i32
    %sign3A_4 = arith.extui %sign3A_3 : i1 to i32
    %sign3A_5 = arith.subi %sign3A_1, %sign3A_4 : i32
    %sign3A_6 = arith.constant 0 : i32
    %sign3A_7 = arith.cmpi sgt, %jit3A, %sign3A_6 : i32
    %sign3A_8 = arith.extui %sign3A_7 : i1 to i32
    %sign3A_9 = arith.constant 0 : i32
    %sign3A_10 = arith.cmpi slt, %jit3A, %sign3A_9 : i32
    %sign3A_11 = arith.extui %sign3A_10 : i1 to i32
    %sign3A_12 = arith.subi %sign3A_8, %sign3A_11 : i32
    %ne3A = arith.cmpi ne, %sign3A_5, %sign3A_12 : i32
    %rem3A = arith.remsi %arg0, %jit3A : i32
    %ne3A_13 = arith.constant 0 : i32
    %ne3A_14 = arith.cmpi ne, %rem3A, %ne3A_13 : i32
    %and3A = arith.andi %ne3A, %ne3A_14 : i1
    %sub3A = arith.constant 1 : i32
    %sub3A_15 = arith.subi %div3A, %sub3A : i32
    %select_n3A = arith.select %and3A, %sub3A_15, %div3A : i32
    %c0_i32 = arith.constant 0 : i32
    %c0_i32_16 = arith.constant 0 : i32
    %c0_i32_17 = arith.constant 0 : i32
    return %select_n3A, %c0_i32, %c0_i32_16 : i32, i32, i32
  }
  func.func @transform_4(%arg0: i32) -> (i32, i32, i32) {
    %jit3A = arith.constant 4 : i32
    %div3A = arith.divsi %arg0, %jit3A : i32
    %sign3A = arith.constant 0 : i32
    %sign3A_0 = arith.cmpi sgt, %arg0, %sign3A : i32
    %sign3A_1 = arith.extui %sign3A_0 : i1 to i32
    %sign3A_2 = arith.constant 0 : i32
    %sign3A_3 = arith.cmpi slt, %arg0, %sign3A_2 : i32
    %sign3A_4 = arith.extui %sign3A_3 : i1 to i32
    %sign3A_5 = arith.subi %sign3A_1, %sign3A_4 : i32
    %sign3A_6 = arith.constant 0 : i32
    %sign3A_7 = arith.cmpi sgt, %jit3A, %sign3A_6 : i32
    %sign3A_8 = arith.extui %sign3A_7 : i1 to i32
    %sign3A_9 = arith.constant 0 : i32
    %sign3A_10 = arith.cmpi slt, %jit3A, %sign3A_9 : i32
    %sign3A_11 = arith.extui %sign3A_10 : i1 to i32
    %sign3A_12 = arith.subi %sign3A_8, %sign3A_11 : i32
    %ne3A = arith.cmpi ne, %sign3A_5, %sign3A_12 : i32
    %rem3A = arith.remsi %arg0, %jit3A : i32
    %ne3A_13 = arith.constant 0 : i32
    %ne3A_14 = arith.cmpi ne, %rem3A, %ne3A_13 : i32
    %and3A = arith.andi %ne3A, %ne3A_14 : i1
    %sub3A = arith.constant 1 : i32
    %sub3A_15 = arith.subi %div3A, %sub3A : i32
    %select_n3A = arith.select %and3A, %sub3A_15, %div3A : i32
    %c0_i32 = arith.constant 0 : i32
    %c0_i32_16 = arith.constant 0 : i32
    %c0_i32_17 = arith.constant 0 : i32
    return %select_n3A, %c0_i32, %c0_i32_16 : i32, i32, i32
  }
  func.func @transform_5(%arg0: i32) -> (i32, i32, i32) {
    %jit3A = arith.constant 4 : i32
    %div3A = arith.divsi %arg0, %jit3A : i32
    %sign3A = arith.constant 0 : i32
    %sign3A_0 = arith.cmpi sgt, %arg0, %sign3A : i32
    %sign3A_1 = arith.extui %sign3A_0 : i1 to i32
    %sign3A_2 = arith.constant 0 : i32
    %sign3A_3 = arith.cmpi slt, %arg0, %sign3A_2 : i32
    %sign3A_4 = arith.extui %sign3A_3 : i1 to i32
    %sign3A_5 = arith.subi %sign3A_1, %sign3A_4 : i32
    %sign3A_6 = arith.constant 0 : i32
    %sign3A_7 = arith.cmpi sgt, %jit3A, %sign3A_6 : i32
    %sign3A_8 = arith.extui %sign3A_7 : i1 to i32
    %sign3A_9 = arith.constant 0 : i32
    %sign3A_10 = arith.cmpi slt, %jit3A, %sign3A_9 : i32
    %sign3A_11 = arith.extui %sign3A_10 : i1 to i32
    %sign3A_12 = arith.subi %sign3A_8, %sign3A_11 : i32
    %ne3A = arith.cmpi ne, %sign3A_5, %sign3A_12 : i32
    %rem3A = arith.remsi %arg0, %jit3A : i32
    %ne3A_13 = arith.constant 0 : i32
    %ne3A_14 = arith.cmpi ne, %rem3A, %ne3A_13 : i32
    %and3A = arith.andi %ne3A, %ne3A_14 : i1
    %sub3A = arith.constant 1 : i32
    %sub3A_15 = arith.subi %div3A, %sub3A : i32
    %select_n3A = arith.select %and3A, %sub3A_15, %div3A : i32
    %jit3A_16 = arith.constant 4 : i32
    %eq3A = arith.constant 0 : i32
    %eq3A_17 = arith.cmpi eq, %jit3A_16, %eq3A : i32
    %jit3A_18 = arith.constant 1 : i32
    %select_n3A_19 = arith.select %eq3A_17, %jit3A_18, %jit3A_16 : i32
    %rem3A_20 = arith.remsi %arg0, %select_n3A_19 : i32
    %ne3A_21 = arith.constant 0 : i32
    %ne3A_22 = arith.cmpi ne, %rem3A_20, %ne3A_21 : i32
    %lt3A = arith.constant 0 : i32
    %lt3A_23 = arith.cmpi slt, %rem3A_20, %lt3A : i32
    %lt3A_24 = arith.constant 0 : i32
    %lt3A_25 = arith.cmpi slt, %select_n3A_19, %lt3A_24 : i32
    %ne3A_26 = arith.xori %lt3A_23, %lt3A_25 : i1
    %and3A_27 = arith.andi %ne3A_26, %ne3A_22 : i1
    %add3A = arith.addi %rem3A_20, %select_n3A_19 : i32
    %select_n3A_28 = arith.select %and3A_27, %add3A, %rem3A_20 : i32
    %c0_i32 = arith.constant 0 : i32
    %c0_i32_29 = arith.constant 0 : i32
    return %select_n3A, %c0_i32, %select_n3A_28 : i32, i32, i32
  }
  func.func @transform_6(%arg0: i32) -> (i32, i32, i32) {
    %jit3A = arith.constant 4 : i32
    %div3A = arith.divsi %arg0, %jit3A : i32
    %sign3A = arith.constant 0 : i32
    %sign3A_0 = arith.cmpi sgt, %arg0, %sign3A : i32
    %sign3A_1 = arith.extui %sign3A_0 : i1 to i32
    %sign3A_2 = arith.constant 0 : i32
    %sign3A_3 = arith.cmpi slt, %arg0, %sign3A_2 : i32
    %sign3A_4 = arith.extui %sign3A_3 : i1 to i32
    %sign3A_5 = arith.subi %sign3A_1, %sign3A_4 : i32
    %sign3A_6 = arith.constant 0 : i32
    %sign3A_7 = arith.cmpi sgt, %jit3A, %sign3A_6 : i32
    %sign3A_8 = arith.extui %sign3A_7 : i1 to i32
    %sign3A_9 = arith.constant 0 : i32
    %sign3A_10 = arith.cmpi slt, %jit3A, %sign3A_9 : i32
    %sign3A_11 = arith.extui %sign3A_10 : i1 to i32
    %sign3A_12 = arith.subi %sign3A_8, %sign3A_11 : i32
    %ne3A = arith.cmpi ne, %sign3A_5, %sign3A_12 : i32
    %rem3A = arith.remsi %arg0, %jit3A : i32
    %ne3A_13 = arith.constant 0 : i32
    %ne3A_14 = arith.cmpi ne, %rem3A, %ne3A_13 : i32
    %and3A = arith.andi %ne3A, %ne3A_14 : i1
    %sub3A = arith.constant 1 : i32
    %sub3A_15 = arith.subi %div3A, %sub3A : i32
    %select_n3A = arith.select %and3A, %sub3A_15, %div3A : i32
    %jit3A_16 = arith.constant 4 : i32
    %eq3A = arith.constant 0 : i32
    %eq3A_17 = arith.cmpi eq, %jit3A_16, %eq3A : i32
    %jit3A_18 = arith.constant 1 : i32
    %select_n3A_19 = arith.select %eq3A_17, %jit3A_18, %jit3A_16 : i32
    %rem3A_20 = arith.remsi %arg0, %select_n3A_19 : i32
    %ne3A_21 = arith.constant 0 : i32
    %ne3A_22 = arith.cmpi ne, %rem3A_20, %ne3A_21 : i32
    %lt3A = arith.constant 0 : i32
    %lt3A_23 = arith.cmpi slt, %rem3A_20, %lt3A : i32
    %lt3A_24 = arith.constant 0 : i32
    %lt3A_25 = arith.cmpi slt, %select_n3A_19, %lt3A_24 : i32
    %ne3A_26 = arith.xori %lt3A_23, %lt3A_25 : i1
    %and3A_27 = arith.andi %ne3A_26, %ne3A_22 : i1
    %add3A = arith.addi %rem3A_20, %select_n3A_19 : i32
    %select_n3A_28 = arith.select %and3A_27, %add3A, %rem3A_20 : i32
    %c0_i32 = arith.constant 0 : i32
    %c0_i32_29 = arith.constant 0 : i32
    return %select_n3A, %c0_i32, %select_n3A_28 : i32, i32, i32
  }
}

</mosaic_0001>

<sc_bundles>
// kernel: sparse-core-data-format-call.cloned.1.call-start
scs
called_computation_lowered:
.L_overlay_start_0:
0x0: {  	s2 =	sld [smem:$0x3FD9]  }
0x1: {  	s3 =	sld [smem:$0x3FFE];
	_ =	sdelay $0x1  }
0x2: {  	s1 =	srdreg.scid  }
0x3: {  	s0 =	sand.u32 $0x1, s1  }
0x4: {  	s18 =	sshll.u32 s0, $0xA;
	s2 =	sadd.s32 s3, s2  }
0x5: {  	s2 =	sadd.s32 s2, s18  }
0x6: {  	[smem:$0x3FC4] =	sst s2  }
0x7: {  	_ = 	snop  }
0x8: {  	s2 =	sld [smem:$0x3FC9];
	(tm) =	ssettm $0x1  }
0x9: {  	s19 =	sld [smem:$0x3FFB];
	_ =	sdelay $0x3  }
0xa: {  	_ =	strace s19  }
0xb: {  	s3 =	sld [smem:$0x3FFC];
	_ =	sdelay $0x3  }
0xc: {  	_ =	strace s3  }
0xd: {  	s3 =	sld [smem:$0x3FFD];
	_ =	sdelay $0x3  }
0xe: {  	_ =	strace s3  }
0xf: {  	_ =	strace $0x8FFFFFFF  }
0x10: {  	s20 =	sld [smem:$0x3FDB];
	_ =	sdelay $0x1  }
0x11: {  	s4 =	simm.s32 $_scs_section_size  }
0x12: {  	s5 =	simm.s32 $_size__tile_overlayer_lowered;
	s6 =	simm.s32 $_tile_overlayer_lowered  }
0x13: {  	s23 =	simm.s32 $0x1BFF;
	s22 =	sshll.u32 s6, $0x1;
	s3 =	sadd.s32 s4, s20  }
0x14: {  	s7 =	simm.s32 $0x0;
	s21 =	sshll.u32 s5, $0x1;
	s5 =	sadd.s32 s22, s3  }
0x15: {  	[timem:s7], [sflag:s23] =	dma.local [hbm:s5], s21  }
0x16: {  	_ =	swait.ge [sflag:s23], s21  }
0x17: {  	s4 =	ssub.s32 $0x0, s21;
	[sflag:s23] =	ssyncset.done $0x0  }
0x18: {  	[sflag:s23] =	ssyncadd.s32 s4;
	_ =	sdelay $0x1  }
0x19: {  	s24 =	simm.s32 $0x1B8B  }
0x1a: {  	_ =	swait.ge [sflag:s24], $0x1  }
0x1b: {  	[sflag:s24] =	ssyncset.done $0x0  }
0x1c: {  	s26 =	simm.s32 $0x1B8E;
	s25 =	sld [smem:$0x3FFE];
	[sflag:s24] =	ssyncadd.s32 $0xFFFFFFFF  }
0x1d: {  	s27 =	simm.s32 $execute0_lowered;
	[smem:$0x3FD2] =	sst s26  }
0x1e: {  	s5 =	sshll.u32 s27, $0x1;
	_ =	strace $0x80000046;
	[dreg:$0x1] =	wrdreg $0xFFFFFFFF  }
0x1f: {  	s28 =	simm.s32 $_size_execute0_lowered;
	s3 =	sadd.s32 s3, s5;
	[dreg:$0x0] =	wrdreg $0x0  }
0x20: {  	s5 =	sshll.u32 s28, $0x1;
	[dreg:$0x2] =	wrdreg s3  }
0x21: {  	[dreg:$0x3] =	wrdreg s5  }
0x22: {  	[dreg:$0x4] =	wrdreg $0xC0  }
0x23: {  	_ =	task [dreg:s7], $0x5FFFF  }
0x24: {  	[dreg:$0x1] =	wrdreg $0xFFFFFFFF  }
0x25: {  	[dreg:$0x0] =	wrdreg $0x60  }
0x26: {  	[dreg:$0x2] =	wrdreg s2  }
0x27: {  	[dreg:$0x3] =	wrdreg s25  }
0x28: {  	[dreg:$0x4] =	wrdreg $0x9  }
0x29: {  	_ =	task.clear_ibuf [dreg:s7], $0x5FFFF;
	_ =	strace $0x90000046  }
0x2a: {  	s29 =	simm.s32 $0x9;
	_ =	strace $0x80000048  }
0x2b: {  	_ =	swait.ge [sflag:s29], $0x1  }
0x2c: {  	[sflag:s29] =	ssyncadd.s32 $0xFFFFFFFF  }
0x2d: {  	_ =	strace $0x90000048  }
0x2e: {  	_ =	sfence  }
0x2f: {  	s30 =	sld [smem:$0x0];
	_ =	sdelay $0x2  }
0x30: {  	s31 =	sshll.u32 s1, $0xD;
	s1 =	sshrl.u32 s1, $0x2  }
0x31: {  	s3 =	sand.u32 $0x4000, s31;
	s1 =	sadd.s32 s1, s30  }
0x32: {  	s0 =	sor.u32 s3, s0;
	s1 =	sshll.u32 s1, $0x11  }
0x33: {  	s0 =	sor.u32 s1, s0  }
0x34: {  	s0 =	sadd.s32 $0x8F2B, s0  }
0x35: {  	[sflag:s0] =	ssyncadd.remote.s32 $0x1  }
0x36: {  	_ =	sfence.sel $0xFFFF  }
0x37: {  	[dreg:$0x0] =	wrdreg $0xFFFFFFFF;
	(pc) =	sbr.abs _section_cstart, $3  }
0x38: {  	[dreg:$0x1] =	wrdreg $0xFFFFFFFF  }
0x39: {  	_ =	task.clear_ibuf [dreg:s7], $0x2FFFF;
	_ =	strace $0x9FFFFFFF  }
0x3a: {  	(tm) =	ssettm $0x7FFFFFFF  }
0x3b: {  	_ =	shalt  }
tec
execute0_lowered:
.L_overlay_start_1:
0x0: {  	(tag) =	ssettag $0x1  }
0x1: {  	s0 =	srdreg.scid  }
0x2: {  	s1 =	sshll.u32 s0, $0x4  }
0x3: {  	s3 =	rddreg [dreg:$0x0];
	s0 =	stileid.u32;
	s1 =	sand.u32 $0x10, s1  }
0x4: {  	s6 =	rddreg [dreg:$0x1];
	s5 =	simm.s32 $0x1;
	s1 =	sor.u32 s0, s1  }
0x5: {  	s31 =	simm.s32 $0x2;
	s13 =	simm.s32 $0x0;
	s2 =	sshll.u32 s1, $0x7  }
0x6: {  	s8 =	simm.s32 $0x10000;
	s12 =	simm.s32 $0x0;
	s4 =	ssub.s32 $0x2000, s2  }
0x7: {  	s9 =	simm.s32 $0x0;
	s11 =	simm.s32 $0x0;
	s30 =	sand.u32 $0xF80, s4  }
.Ltmp0:
0x8: {  	s6 =	sadd.s32 $0xE00, s6;
	p0 =	sne.s32 s30, $0x0;
	(pc) =	sbr.rel .LBB1_1-.Ltmp0, $4  }
0x9: {  	s1 =	rddreg [dreg:$0x2];
	s7 =	sshrl.u32 s4, $0xC;
	s5 =	simm.s32 @!p0 $0x0  }
0xa: {  	_ =	strace $0x80000047;
	s4 =	simm.s32 $0x1;
	s5 =	sadd.s32 s5, s7  }
0xb: {  	s10 =	smov.u32 s2;
	[sflag:s4] =	ssyncpa.u1 $0x0;
	s5 =	sshll.u32 s5, $0x3  }
0xc: {  	[sflag:s31] =	ssyncpa.u1 $0x0;
	p0 =	por $0x0, $0x0;
	s7 =	sor.u32 $0x1, s5  }
.LBB1_4:
0xd: {  	v5 =	vld [tilespmem:s16+$0xFFFFFFD0]  }
0xe: {  	[tilespmem:s17+$0x2040 ss:$0x81] =	vst.msk $0xffff, v1;
	v58 =	vld [tilespmem:s16+$0xFFFFFFE0]  }
0xf: {  	[tilespmem:s17+$0x2850 ss:$0x81] =	vst.msk $0xffff, v2;
	v59 =	vld [tilespmem:s16+$0xFFFFFFF0]  }
0x10: {  	s18 =	sshra.s32 s18, $0x2;
	[tilespmem:s17+$0x3060 ss:$0x81] =	vst.msk $0xffff, v3;
	v60 =	vld [tilespmem:s16+$0x0]  }
0x11: {  	[tilespmem:s17+$0x0 ss:$0x81] =	vst.msk $0xffff, v0;
	v61 =	vld [tilespmem:s16+$0x10];
	s15 =	sadd.s32 s18, s15  }
0x12: {  	s26 =	sshll.u32 s13, $0xD;
	v62 =	vld [tilespmem:s16+$0x20];
	[tilespmem:s15+$0x3870 ss:$0x81] =	vst.msk $0xffff, v4  }
0x13: {  	s27 =	sand.u32 $0x78, s12;
	s19 =	sshll.u32 s12, $0x3;
	v63 =	vld [tilespmem:s16+$0xFFFFFFC0];
	s29 =	sshll.u32 s13, $0x7;
	[tilespmem:s15+$0x810 ss:$0x81] =	vst.msk $0xffff, v5  }
0x14: {  	s17 =	sand.u32 $0x7F0000, s26;
	s28 =	sand.u32 $0x7FFC00, s19;
	s19 =	sand.u32 $0x1C00, s19;
	[tilespmem:s15+$0x1020 ss:$0x81] =	vst.msk $0xffff, v58  }
0x15: {  	s13 =	sand.u32 $0x380, s29;
	s16 =	sadd.s32 s28, s17;
	s30 =	sor.u32 s27, s19;
	[tilespmem:s15+$0x1830 ss:$0x81] =	vst.msk $0xffff, v59  }
0x16: {  	s16 =	sand.u32 $0x7FE000, s16;
	s13 =	sor.u32 s13, s30;
	[tilespmem:s15+$0x2040 ss:$0x81] =	vst.msk $0xffff, v60  }
0x17: {  	s31 =	sand.u32 $0x7, s12;
	s13 =	sor.u32 s16, s13;
	[tilespmem:s15+$0x2850 ss:$0x81] =	vst.msk $0xffff, v61  }
0x18: {  	s12 =	sshll.u32 s31, $0x12;
	[tilespmem:s15+$0x3060 ss:$0x81] =	vst.msk $0xffff, v62;
	s13 =	sshrl.u32 s13, $0x3  }
0x19: {  	s12 =	sor.u32 $0x400, s12;
	[tilespmem:s15+$0x0 ss:$0x81] =	vst.msk $0xffff, v63;
	s13 =	sadd.s32 s6, s13  }
0x1a: {  	[hbm4b:s13+s12] =	stream.strided.scatter [tilespmem:s14], [sflag:$0x2], $0x4000, s8, s12, $0x20;
	[tilespmem:$0x10100] =	vst v63  }
.LBB1_5:
0x1b: {  	s14 =	sadd.s32 $0x80, s9  }
0x1c: {  	s12 =	sadd.s32 $0x1000, s10;
	s16 =	smov.u32 s10;
	p2 =	sgt.s32 s14, $0x3FF  }
0x1d: {  	s16 =	smov.u32 @p2 s12  }
0x1e: {  	s14 =	simm.s32 @p2 $0x0;
	p2 =	sgt.s32 s16, $0x1FFF  }
0x1f: {  	s16 =	smov.u32 @p2 s2;
	p2 =	sne.s32 s11, s7  }
.Ltmp1:
0x20: {  	p1 =	slt.u32 s11, $0x2;
	(pc) =	sbr.rel @!p2 .LBB1_6-.Ltmp1, $4  }
0x21: {  	s15 =	simm.s32 @!p1 $0x2  }
0x22: {  	s13 =	smov.u32 s9;
	p0 =	por !p0, !p0;
	_ =	swait.ge @!p1 [sflag:s15], $0x4000  }
0x23: {  	s12 =	smov.u32 s10;
	[sflag:s15] =	ssyncset.done @!p1 $0x0;
	s9 =	smov.u32 s14  }
0x24: {  	s11 =	sadd.s32 $0x1, s11;
	[sflag:s15] =	ssyncadd.s32 @!p1 $0xFFFFC000;
	s10 =	smov.u32 s16  }
.LBB1_1:
0x25: {  	p1 =	sge.u32 s11, s5  }
0x26: {  	s31 =	sadd.s32 $0xFFFFFFFF, s11;
	s14 =	sshll.u32 @!p1 s10, $0xA  }
0x27: {  	s15 =	sshll.u32 @!p1 s9, $0x3;
	s16 =	sshll.u32 @!p1 s10, $0x7;
	s14 =	sand.u32 @!p1 $0x7FE000, s14  }
0x28: {  	s17 =	sand.u32 @!p1 $0x78, s9;
	s14 =	sadd.s32 @!p1 s14, s15;
	s15 =	sand.u32 @!p1 $0x380, s16  }
0x29: {  	s16 =	sxor.u32 @!p1 $0xFFFFFFFF, s11;
	s14 =	sand.u32 @!p1 $0x7FFC00, s14;
	s15 =	sor.u32 @!p1 s15, s17  }
0x2a: {  	s16 =	sshll.u32 @!p1 s16, $0xE;
	s14 =	sor.u32 @!p1 s14, s15;
	s15 =	sand.u32 @!p1 $0x7, s9  }
0x2b: {  	s17 =	simm.s32 @!p1 $0x2000;
	s14 =	sshrl.u32 @!p1 s14, $0x3;
	s15 =	sshll.u32 @!p1 s15, $0x12  }
0x2c: {  	s16 =	sand.u32 @!p1 $0x4000, s16;
	s14 =	sadd.s32 @!p1 s3, s14;
	s15 =	sor.u32 @!p1 $0x400, s15  }
0x2d: {  	[tilespmem:s16], [sflag:$0x1] =	stream.strided.gather @!p1 [hbm4b:s14+s15], $0x4000, s17, s15, $0x38;
	[tilespmem:$0x10100] =	vst v63  }
0x2e: {  	p1 =	sge.u32 s31, s5  }
.Ltmp2:
0x2f: {  	_ = 	snop;
	(pc) =	sbr.rel @p1 .LBB1_5-.Ltmp2, $1  }
0x30: {  	_ =	sdelay $0x3  }
0x31: {  	s14 =	simm.s32 $0x1  }
0x32: {  	_ =	swait.ge [sflag:s4], $0x4000;
	s14 =	simm.s32 @!p0 $0x0  }
0x33: {  	[sflag:s4] =	ssyncset.done $0x0;
	s15 =	sshll.u32 s14, $0xE  }
0x34: {  	[sflag:s4] =	ssyncadd.s32 $0xFFFFC000;
	s16 =	sor.u32 $0x40, s15  }
0x35: {  	s14 =	smul.u32 $0x10200, s14;
	v0 =	vld [tilespmem:s16+$0x30]  }
0x36: {  	v3 =	vld [tilespmem:s16+$0xFFFFFFD0]  }
0x37: {  	s14 =	sshrl.u32 s14, $0x2;
	v4 =	vld [tilespmem:s16+$0xFFFFFFE0]  }
0x38: {  	v5 =	vld [tilespmem:s16+$0xFFFFFFF0];
	s15 =	sor.u32 $0x8000, s14  }
0x39: {  	s31 =	sand.u32 $0x1, s11;
	v1 =	vld [tilespmem:s16+$0x0];
	s17 =	sadd.s32 $0x0, s15  }
0x3a: {  	v2 =	vld [tilespmem:s16+$0x10];
	s14 =	smul.u32 $0x10200, s31;
	[tilespmem:s17+$0x3870 ss:$0x81] =	vst.msk $0xffff, v0  }
0x3b: {  	[tilespmem:s17+$0x810 ss:$0x81] =	vst.msk $0xffff, v3;
	v3 =	vld [tilespmem:s16+$0x20]  }
0x3c: {  	s14 =	sshrl.u32 s14, $0x2;
	v0 =	vld [tilespmem:s16+$0xFFFFFFC0];
	[tilespmem:s17+$0x1020 ss:$0x81] =	vst.msk $0xffff, v4;
	s16 =	sadd.s32 $0x80, s16  }
0x3d: {  	s18 =	simm.s32 $0x4;
	s19 =	simm.s32 $0x8;
	s14 =	sor.u32 $0x8000, s14;
	[tilespmem:s17+$0x1830 ss:$0x81] =	vst.msk $0xffff, v5;
	v4 =	vld [tilespmem:s16+$0x30]  }
.LBB1_3:
0x3e: {  	p1 =	sne.s32 s19, $0x1FC;
	v5 =	vld [tilespmem:s16+$0xFFFFFFD0];
	[tilespmem:s17+$0x2040 ss:$0x81] =	vst.msk $0xffff, v1  }
0x3f: {  	v6 =	vld [tilespmem:s16+$0xFFFFFFE0];
	[tilespmem:s17+$0x2850 ss:$0x81] =	vst.msk $0xffff, v2  }
0x40: {  	s20 =	sshra.s32 s18, $0x2;
	s18 =	smov.u32 s19;
	v7 =	vld [tilespmem:s16+$0xFFFFFFF0];
	[tilespmem:s17+$0x3060 ss:$0x81] =	vst.msk $0xffff, v3  }
.Ltmp3:
0x41: {  	v1 =	vld [tilespmem:s16+$0x0];
	[tilespmem:s17+$0x0 ss:$0x81] =	vst.msk $0xffff, v0;
	s17 =	sadd.s32 s20, s15;
	(pc) =	sbr.rel @p1 .LBB1_3-.Ltmp3, $4  }
0x42: {  	v2 =	vld [tilespmem:s16+$0x10];
	[tilespmem:s17+$0x3870 ss:$0x81] =	vst.msk $0xffff, v4  }
0x43: {  	[tilespmem:s17+$0x810 ss:$0x81] =	vst.msk $0xffff, v5;
	v3 =	vld [tilespmem:s16+$0x20]  }
0x44: {  	v0 =	vld [tilespmem:s16+$0xFFFFFFC0];
	[tilespmem:s17+$0x1020 ss:$0x81] =	vst.msk $0xffff, v6;
	s16 =	sadd.s32 $0x80, s16  }
0x45: {  	s19 =	sadd.s32 $0x4, s19;
	v4 =	vld [tilespmem:s16+$0x30];
	[tilespmem:s17+$0x1830 ss:$0x81] =	vst.msk $0xffff, v7  }
.Ltmp4:
0x46: {  	_ = 	snop;
	(pc) =	sbr.rel .LBB1_4-.Ltmp4, $1  }
0x47: {  	_ =	sdelay $0x3  }
.LBB1_6:
0x48: {  	_ =	sfence.sel $0x180000  }
0x49: {  	s2 =	simm.s32 $0x1;
	[bflag:$0x0] =	sbarrier.arrive $0xFFFF  }
0x4a: {  	s31 =	simm.s32 $0x2;
	[sflag:s2] =	ssyncpa.u1 $0x1  }
0x4b: {  	[sflag:s31] =	ssyncpa.u1 $0x1  }
0x4c: {  	p0 =	sne.s32 s0, $0x0;
	_ =	strace $0x90000047  }
0x4d: {  	s0 =	sadd.s32 @!p0 $0x100000, s1;
	[bflag:$0x2] =	sbarrier.arrive $0xFFFF  }
0x4e: {  	[sflag:s0] =	ssyncadd.tile.s32 @!p0 $0x1;
	_ =	shalt  }
.Lfunc_end1:
_tile_overlayer_lowered:
.L_overlay_start_2:
0x4f: {  	(tag) =	ssettag $0x2  }
0x50: {  	s0 =	rddreg [dreg:$0x0];
	s2 =	stileid.u32  }
0x51: {  	s1 =	rddreg [dreg:$0x1];
	p0 =	sne.s32 s2, $0x0  }
0x52: {  	s3 =	rddreg [dreg:$0x2];
	[bflag:$0x3] =	sbarrier.arrive $0xFFFF;
	s2 =	simm.s32 @!p0 $0x1C01  }
0x53: {  	[timem:s3], [sflag:s2] =	dma.local @!p0 [hbm:s0], s1  }
0x54: {  	s0 =	simm.s32 @!p0 $0x1  }
0x55: {  	_ =	swait.ge @!p0 [sflag:s0], s1  }
0x56: {  	s1 =	ssub.s32 @!p0 $0x0, s1;
	[sflag:s0] =	ssyncset.done @!p0 $0x0  }
0x57: {  	[sflag:s0] =	ssyncadd.s32 @!p0 s1  }
0x58: {  	[bflag:$0x3] =	sbarrier.arrive $0xFFFF  }
0x59: {  	_ =	shalt  }

</sc_bundles>
